<compile_context>
chip_gen: v7x
topology: tpu7x:2x2x1
jax: 0.10.2.dev20260603
libtpu: 0.0.44.dev20260713+nightly
codegen_flags: <defaults>
</compile_context>

<pallas_src>
import functools

import jax
import jax.numpy as jnp
from jax import lax
from jax.experimental import pallas as pl
from jax.experimental.pallas import tpu as pltpu
from jax.experimental.pallas import tpu_sc as plsc

E = 64
K = 2
H = 1024
I = 512
T = 2048
N = T * K
NPAD = 4736
BM = 96
BA = 256

_NEG_INF = float("-inf")


def _routing_kernel(rl_ref, pe_ref, po_ref, we_ref, wo_ref, cnt_ref, off_ref):
    rl = rl_ref[...]
    iota_e = lax.broadcasted_iota(jnp.int32, (T, E), 1)

    m1 = jnp.max(rl, axis=1, keepdims=True)
    a1 = jnp.min(jnp.where(rl == m1, iota_e, E), axis=1, keepdims=True)
    masked = jnp.where(iota_e == a1, _NEG_INF, rl)
    m2 = jnp.max(masked, axis=1, keepdims=True)
    a2 = jnp.min(jnp.where(masked == m2, iota_e, E), axis=1, keepdims=True)

    w0 = jax.nn.sigmoid(m1 - m2)
    we_ref[...] = w0
    wo_ref[...] = 1.0 - w0

    o1 = (iota_e == a1).astype(jnp.float32)
    o2 = (iota_e == a2).astype(jnp.float32)

    cnt_f = (jnp.sum(o1, axis=0, keepdims=True)
             + jnp.sum(o2, axis=0, keepdims=True))
    cnt_ref[...] = cnt_f.astype(jnp.int32)
    cnt_pad = jnp.ceil(cnt_f / 8.0) * 8.0
    iu = lax.broadcasted_iota(jnp.int32, (E, E), 0)
    ju = lax.broadcasted_iota(jnp.int32, (E, E), 1)
    upper = (iu < ju).astype(jnp.float32)
    off_f = lax.dot_general(cnt_pad, upper, (((1,), (0,)), ((), ())),
                            preferred_element_type=jnp.float32)
    off_ref[...] = off_f.astype(jnp.int32)

    ib = lax.broadcasted_iota(jnp.int32, (BA, BA), 0)
    jb = lax.broadcasted_iota(jnp.int32, (BA, BA), 1)
    tril = (jb < ib).astype(jnp.float32)
    carry = jnp.zeros((1, E), jnp.float32)
    for k in range(2):
        onehot = o1 if k == 0 else o2
        p_ref = pe_ref if k == 0 else po_ref
        for b in range(T // BA):
            ob = onehot[b * BA:(b + 1) * BA, :]
            sb = lax.dot_general(tril, ob, (((1,), (0,)), ((), ())),
                                 preferred_element_type=jnp.float32) + carry
            rank = jnp.sum(sb * ob, axis=1, keepdims=True)
            offg = lax.dot_general(ob, off_f, (((1,), (1,)), ((), ())),
                                   preferred_element_type=jnp.float32)
            p_ref[b * BA:(b + 1) * BA, :] = (rank + offg).astype(jnp.int32)
            carry = carry + jnp.sum(ob, axis=0, keepdims=True)


def _gmm_kernel(off_ref, cnt_ref, xs_ref, w13_ref, w2_ref, ys_ref):
    e = pl.program_id(0)
    cnt = cnt_ref[e]
    off = off_ref[e]
    nb = (cnt + BM - 1) // BM

    def body(j, _):
        base = pl.multiple_of(off + j * BM, 8)
        xb = xs_ref[pl.ds(base, BM), :]
        gu = lax.dot_general(xb, w13_ref[0], (((1,), (1,)), ((), ())),
                             preferred_element_type=jnp.float32)
        g = gu[:, :I]
        u = gu[:, I:]
        h = g * jax.nn.sigmoid(g) * u
        y = lax.dot_general(h, w2_ref[0], (((1,), (1,)), ((), ())),
                            preferred_element_type=jnp.float32)
        ys_ref[pl.ds(base, BM), :] = y
        return 0

    lax.fori_loop(0, nb, body, 0)


NW = 32
TPW = T // NW

_SC_MESH = plsc.VectorSubcoreMesh(core_axis_name="c", subcore_axis_name="s")


@functools.partial(
    pl.kernel,
    out_type=jax.ShapeDtypeStruct((NPAD, H), jnp.float32),
    mesh=_SC_MESH,
    scratch_types=[
        pltpu.VMEM((TPW,), jnp.int32),
        pltpu.VMEM((TPW,), jnp.int32),
        pltpu.VMEM((TPW, H), jnp.float32),
        pltpu.SemaphoreType.DMA,
    ],
)
def _scatter_x(x_hbm, pe_hbm, po_hbm, xs_hbm, idxe_v, idxo_v, rows_v, sem):
    wid = lax.axis_index("s") * 2 + lax.axis_index("c")
    base = wid * TPW
    pltpu.sync_copy(x_hbm.at[pl.ds(base, TPW)], rows_v)
    pltpu.sync_copy(pe_hbm.at[pl.ds(base, TPW)], idxe_v)
    pltpu.sync_copy(po_hbm.at[pl.ds(base, TPW)], idxo_v)
    c1 = pltpu.async_copy(rows_v, xs_hbm.at[idxe_v], sem)
    c2 = pltpu.async_copy(rows_v, xs_hbm.at[idxo_v], sem)
    c1.wait()
    c2.wait()


@functools.partial(
    pl.kernel,
    out_type=[
        jax.ShapeDtypeStruct((T, H), jnp.float32),
        jax.ShapeDtypeStruct((T, H), jnp.float32),
    ],
    mesh=_SC_MESH,
    scratch_types=[
        pltpu.VMEM((TPW,), jnp.int32),
        pltpu.VMEM((TPW,), jnp.int32),
        pltpu.VMEM((TPW, H), jnp.float32),
        pltpu.SemaphoreType.DMA,
    ],
)
def _gather_y(ys_hbm, pe_hbm, po_hbm, ye_hbm, yo_hbm, idxe_v, idxo_v,
              rows_v, sem):
    wid = lax.axis_index("s") * 2 + lax.axis_index("c")
    base = wid * TPW
    pltpu.sync_copy(pe_hbm.at[pl.ds(base, TPW)], idxe_v)
    pltpu.sync_copy(po_hbm.at[pl.ds(base, TPW)], idxo_v)
    pltpu.async_copy(ys_hbm.at[idxe_v], rows_v, sem).wait()
    pltpu.sync_copy(rows_v, ye_hbm.at[pl.ds(base, TPW)])
    pltpu.async_copy(ys_hbm.at[idxo_v], rows_v, sem).wait()
    pltpu.sync_copy(rows_v, yo_hbm.at[pl.ds(base, TPW)])


def _combine_kernel(ye_ref, yo_ref, we_ref, wo_ref, out_ref):
    out_ref[...] = we_ref[...] * ye_ref[...] + wo_ref[...] * yo_ref[...]


def kernel(x, router_logits, w13_weight, w2_weight):
    pe, po, we, wo, cnt, off = pl.pallas_call(
        _routing_kernel,
        out_shape=[
            jax.ShapeDtypeStruct((T, 1), jnp.int32),
            jax.ShapeDtypeStruct((T, 1), jnp.int32),
            jax.ShapeDtypeStruct((T, 1), jnp.float32),
            jax.ShapeDtypeStruct((T, 1), jnp.float32),
            jax.ShapeDtypeStruct((1, E), jnp.int32),
            jax.ShapeDtypeStruct((1, E), jnp.int32),
        ],
    )(router_logits)

    pe1 = pe.reshape(T)
    po1 = po.reshape(T)

    xs = _scatter_x(x, pe1, po1)

    ys = pl.pallas_call(
        _gmm_kernel,
        grid=(E,),
        in_specs=[
            pl.BlockSpec(memory_space=pltpu.SMEM),
            pl.BlockSpec(memory_space=pltpu.SMEM),
            pl.BlockSpec((NPAD, H), lambda e: (0, 0)),
            pl.BlockSpec((1, 2 * I, H), lambda e: (e, 0, 0)),
            pl.BlockSpec((1, H, I), lambda e: (e, 0, 0)),
        ],
        out_specs=pl.BlockSpec((NPAD, H), lambda e: (0, 0)),
        out_shape=jax.ShapeDtypeStruct((NPAD, H), jnp.float32),
    )(off.reshape(E), cnt.reshape(E), xs, w13_weight, w2_weight)

    ye, yo = _gather_y(ys, pe1, po1)

    return pl.pallas_call(
        _combine_kernel,
        grid=(T // 256,),
        in_specs=[
            pl.BlockSpec((256, H), lambda i: (i, 0)),
            pl.BlockSpec((256, H), lambda i: (i, 0)),
            pl.BlockSpec((256, 1), lambda i: (i, 0)),
            pl.BlockSpec((256, 1), lambda i: (i, 0)),
        ],
        out_specs=pl.BlockSpec((256, H), lambda i: (i, 0)),
        out_shape=jax.ShapeDtypeStruct((T, H), jnp.float32),
    )(ye, yo, we, wo)

# --- scband reference (transcript-rebuilt; emitter-appended) ---
"""Pipeline reference for scband-fused-mo-e-26860725469445 (READ-ONLY COPY).

The authoritative reference and input builder live on the scoring server;
editing this copy changes nothing except your own understanding.
"""

import jax, jax.numpy as jnp
import numpy as np

E = 64
K = 2
H = 1024
I = 512
T = 2048


def setup_inputs(seed: int = 0) -> dict:
    key = jax.random.key(seed)
    k1, k2, k3, k4 = jax.random.split(key, 4)
    x = jax.random.normal(k1, (T, H), dtype=jnp.float32)
    router_logits = jax.random.normal(k2, (T, E), dtype=jnp.float32)
    w13_weight = jax.random.normal(k3, (E, 2 * I, H), dtype=jnp.float32) * 0.02
    w2_weight = jax.random.normal(k4, (E, H, I), dtype=jnp.float32) * 0.02
    return {"x": x, "router_logits": router_logits, "w13_weight": w13_weight, "w2_weight": w2_weight}


def _dispatch(topk_ids, C):
    # Build a padded [E, C] dispatch plan from top-k expert ids.
    flat = topk_ids.reshape(-1)  # [T*K]
    n = flat.shape[0]
    order = jnp.argsort(flat, stable=True)
    counts = jnp.bincount(flat, length=E)
    offsets = jnp.concatenate([jnp.zeros((1,), counts.dtype), jnp.cumsum(counts)])
    e_sorted = flat[order]
    pos = jnp.arange(n) - offsets[e_sorted]
    idx_tok = jnp.zeros((E, C), dtype=jnp.int32).at[e_sorted, pos].set((order // K).astype(jnp.int32))
    idx_slot = jnp.zeros((E, C), dtype=jnp.int32).at[e_sorted, pos].set((order % K).astype(jnp.int32))
    mask = jnp.zeros((E, C), dtype=jnp.float32).at[e_sorted, pos].set(1.0)
    return idx_tok, idx_slot, mask


def reference(x, router_logits, w13_weight, w2_weight):
    # top-k routing (softmax is monotonic, so top-k of logits == top-k of probs)
    _, topk_ids = jax.lax.top_k(router_logits, K)
    # Each expert receives at most one slot per token (top-k ids are distinct),
    # so x.shape[0] is a static upper bound on per-expert capacity.
    idx_tok, idx_slot, mask = _dispatch(topk_ids, x.shape[0])

    probs = jax.nn.softmax(router_logits, axis=-1)
    topk_w = jnp.take_along_axis(probs, topk_ids, axis=1)  # [T, K]
    topk_w = topk_w / jnp.sum(topk_w, axis=-1, keepdims=True)  # renormalize=True

    w_ec = topk_w[idx_tok, idx_slot] * mask  # [E, C]
    xg = x[idx_tok]  # gather: [E, C, H]
    w1 = w13_weight[:, :I, :]
    w3 = w13_weight[:, I:, :]
    g = jnp.einsum("ech,eih->eci", xg, w1)
    u = jnp.einsum("ech,eih->eci", xg, w3)
    h = jax.nn.silu(g) * u  # SwiGLU
    y = jnp.einsum("eci,ehi->ech", h, w2_weight)
    y = y * w_ec[..., None]
    out = jnp.zeros((T, H), dtype=jnp.float32).at[idx_tok.reshape(-1)].add(y.reshape(-1, H))
    return out

if __name__ == "__main__":
    import jax
    _d = setup_inputs()
    print(jax.jit(kernel)(*tuple(_d.values())))

</pallas_src>

<mosaic_0001>
#map = affine_map<(d0, d1) -> (0, 0)>
#map1 = affine_map<(d0, d1) -> (0)>
module attributes {stable_mosaic.version = 14 : i64} {
  func.func @_scatter_x(%arg0: i32, %arg1: i32, %arg2: memref<2048x1024xf32, #tpu.memory_space<hbm>>, %arg3: memref<2048xi32, #tpu.memory_space<hbm>>, %arg4: memref<2048xi32, #tpu.memory_space<hbm>>, %arg5: memref<4736x1024xf32, #tpu.memory_space<hbm>>, %arg6: memref<64xi32, #tpu.memory_space<vmem>>, %arg7: memref<64xi32, #tpu.memory_space<vmem>>, %arg8: memref<64x1024xf32, #tpu.memory_space<vmem>>, %arg9: memref<!tpu.dma_semaphore, #tpu.memory_space<semaphore_mem>>) attributes {dimension_semantics = [#tpu.dimension_semantics<core_parallel>, #tpu.dimension_semantics<subcore_parallel>], iteration_bounds = array<i64: 2, 16>, scalar_prefetch = 0 : i64, scratch_operands = 4 : i64, tpu.core_type = #tpu.core_type<sc_vector_subcore>, window_params = [{transform_indices = #map}, {transform_indices = #map1}, {transform_indices = #map1}, {transform_indices = #map}]} {
    %mul3A = arith.constant 2 : i32
    %mul3A_0 = arith.muli %arg1, %mul3A : i32
    %add3A = arith.addi %mul3A_0, %arg0 : i32
    %mul3A_1 = arith.constant 64 : i32
    %mul3A_2 = arith.muli %add3A, %mul3A_1 : i32
    "tpu.region"() ({
      %run_scoped3A = tpu.sem_alloc : memref<!tpu.dma_semaphore, #tpu.memory_space<semaphore_mem>>
      %dma_start3A_13 = arith.constant 0 : i32
      %dma_start3A_14 = tpu.memref_slice %arg2[%mul3A_2, %dma_start3A_13] : memref<2048x1024xf32, #tpu.memory_space<hbm>> -> memref<64x1024xf32, #tpu.memory_space<hbm>>
      %dma_start3A_15 = arith.constant 0 : i32
      %dma_start3A_16 = tpu.memref_slice %arg2[%mul3A_2, %dma_start3A_15] : memref<2048x1024xf32, #tpu.memory_space<hbm>> -> memref<64x1024xf32, #tpu.memory_space<hbm>>
      tpu.enqueue_dma source(%dma_start3A_16 : memref<64x1024xf32, #tpu.memory_space<hbm>>) target(%arg8 : memref<64x1024xf32, #tpu.memory_space<vmem>>) target_semaphore(%run_scoped3A : memref<!tpu.dma_semaphore, #tpu.memory_space<semaphore_mem>>)
      %dma_wait3A_17 = arith.constant 0 : i32
      %dma_wait3A_18 = tpu.memref_slice %arg2[%mul3A_2, %dma_wait3A_17] : memref<2048x1024xf32, #tpu.memory_space<hbm>> -> memref<64x1024xf32, #tpu.memory_space<hbm>>
      %dma_wait3A_19 = arith.constant 0 : i32
      %dma_wait3A_20 = tpu.memref_slice %arg2[%mul3A_2, %dma_wait3A_19] : memref<2048x1024xf32, #tpu.memory_space<hbm>> -> memref<64x1024xf32, #tpu.memory_space<hbm>>
      tpu.wait_dma2 semaphore(%run_scoped3A : memref<!tpu.dma_semaphore, #tpu.memory_space<semaphore_mem>>) src(%dma_wait3A_20 : memref<64x1024xf32, #tpu.memory_space<hbm>>) dst(%arg8 : memref<64x1024xf32, #tpu.memory_space<vmem>>)
      tpu.yield
    }) : () -> ()
    "tpu.region"() ({
      %run_scoped3A = tpu.sem_alloc : memref<!tpu.dma_semaphore, #tpu.memory_space<semaphore_mem>>
      %dma_start3A_13 = tpu.memref_slice %arg3[%mul3A_2] : memref<2048xi32, #tpu.memory_space<hbm>> -> memref<64xi32, #tpu.memory_space<hbm>>
      %dma_start3A_14 = tpu.memref_slice %arg3[%mul3A_2] : memref<2048xi32, #tpu.memory_space<hbm>> -> memref<64xi32, #tpu.memory_space<hbm>>
      tpu.enqueue_dma source(%dma_start3A_14 : memref<64xi32, #tpu.memory_space<hbm>>) target(%arg6 : memref<64xi32, #tpu.memory_space<vmem>>) target_semaphore(%run_scoped3A : memref<!tpu.dma_semaphore, #tpu.memory_space<semaphore_mem>>)
      %dma_wait3A_15 = tpu.memref_slice %arg3[%mul3A_2] : memref<2048xi32, #tpu.memory_space<hbm>> -> memref<64xi32, #tpu.memory_space<hbm>>
      %dma_wait3A_16 = tpu.memref_slice %arg3[%mul3A_2] : memref<2048xi32, #tpu.memory_space<hbm>> -> memref<64xi32, #tpu.memory_space<hbm>>
      tpu.wait_dma2 semaphore(%run_scoped3A : memref<!tpu.dma_semaphore, #tpu.memory_space<semaphore_mem>>) src(%dma_wait3A_16 : memref<64xi32, #tpu.memory_space<hbm>>) dst(%arg6 : memref<64xi32, #tpu.memory_space<vmem>>)
      tpu.yield
    }) : () -> ()
    "tpu.region"() ({
      %run_scoped3A = tpu.sem_alloc : memref<!tpu.dma_semaphore, #tpu.memory_space<semaphore_mem>>
      %dma_start3A_13 = tpu.memref_slice %arg4[%mul3A_2] : memref<2048xi32, #tpu.memory_space<hbm>> -> memref<64xi32, #tpu.memory_space<hbm>>
      %dma_start3A_14 = tpu.memref_slice %arg4[%mul3A_2] : memref<2048xi32, #tpu.memory_space<hbm>> -> memref<64xi32, #tpu.memory_space<hbm>>
      tpu.enqueue_dma source(%dma_start3A_14 : memref<64xi32, #tpu.memory_space<hbm>>) target(%arg7 : memref<64xi32, #tpu.memory_space<vmem>>) target_semaphore(%run_scoped3A : memref<!tpu.dma_semaphore, #tpu.memory_space<semaphore_mem>>)
      %dma_wait3A_15 = tpu.memref_slice %arg4[%mul3A_2] : memref<2048xi32, #tpu.memory_space<hbm>> -> memref<64xi32, #tpu.memory_space<hbm>>
      %dma_wait3A_16 = tpu.memref_slice %arg4[%mul3A_2] : memref<2048xi32, #tpu.memory_space<hbm>> -> memref<64xi32, #tpu.memory_space<hbm>>
      tpu.wait_dma2 semaphore(%run_scoped3A : memref<!tpu.dma_semaphore, #tpu.memory_space<semaphore_mem>>) src(%dma_wait3A_16 : memref<64xi32, #tpu.memory_space<hbm>>) dst(%arg7 : memref<64xi32, #tpu.memory_space<vmem>>)
      tpu.yield
    }) : () -> ()
    %dma_start3A = arith.constant 0 : i32
    %dma_start3A_3 = arith.constant 0 : i32
    %dma_start3A_4 = tpu.memref_slice %arg5[%dma_start3A, %dma_start3A_3] : memref<4736x1024xf32, #tpu.memory_space<hbm>> -> memref<4736x1024xf32, #tpu.memory_space<hbm>>
    tpu.enqueue_indirect_dma source(%arg8 : memref<64x1024xf32, #tpu.memory_space<vmem>>) target(%dma_start3A_4 : memref<4736x1024xf32, #tpu.memory_space<hbm>>) offsets(%arg6 : memref<64xi32, #tpu.memory_space<vmem>>) semaphore(%arg9 : memref<!tpu.dma_semaphore, #tpu.memory_space<semaphore_mem>>)
    %dma_start3A_5 = arith.constant 0 : i32
    %dma_start3A_6 = arith.constant 0 : i32
    %dma_start3A_7 = tpu.memref_slice %arg5[%dma_start3A_5, %dma_start3A_6] : memref<4736x1024xf32, #tpu.memory_space<hbm>> -> memref<4736x1024xf32, #tpu.memory_space<hbm>>
    tpu.enqueue_indirect_dma source(%arg8 : memref<64x1024xf32, #tpu.memory_space<vmem>>) target(%dma_start3A_7 : memref<4736x1024xf32, #tpu.memory_space<hbm>>) offsets(%arg7 : memref<64xi32, #tpu.memory_space<vmem>>) semaphore(%arg9 : memref<!tpu.dma_semaphore, #tpu.memory_space<semaphore_mem>>)
    %dma_wait3A = arith.constant 0 : i32
    %dma_wait3A_8 = arith.constant 0 : i32
    %dma_wait3A_9 = tpu.memref_slice %arg5[%dma_wait3A, %dma_wait3A_8] : memref<4736x1024xf32, #tpu.memory_space<hbm>> -> memref<4736x1024xf32, #tpu.memory_space<hbm>>
    tpu.wait_indirect_dma semaphore(%arg9 : memref<!tpu.dma_semaphore, #tpu.memory_space<semaphore_mem>>) src(%arg8 : memref<64x1024xf32, #tpu.memory_space<vmem>>) dst(%dma_wait3A_9 : memref<4736x1024xf32, #tpu.memory_space<hbm>>)
    %dma_wait3A_10 = arith.constant 0 : i32
    %dma_wait3A_11 = arith.constant 0 : i32
    %dma_wait3A_12 = tpu.memref_slice %arg5[%dma_wait3A_10, %dma_wait3A_11] : memref<4736x1024xf32, #tpu.memory_space<hbm>> -> memref<4736x1024xf32, #tpu.memory_space<hbm>>
    tpu.wait_indirect_dma semaphore(%arg9 : memref<!tpu.dma_semaphore, #tpu.memory_space<semaphore_mem>>) src(%arg8 : memref<64x1024xf32, #tpu.memory_space<vmem>>) dst(%dma_wait3A_12 : memref<4736x1024xf32, #tpu.memory_space<hbm>>)
    return
  }
}

#map = affine_map<(d0, d1) -> (0, 0)>
#map1 = affine_map<(d0, d1) -> (0)>
module attributes {stable_mosaic.version = 14 : i64} {
  func.func @_gather_y(%arg0: i32, %arg1: i32, %arg2: memref<4736x1024xf32, #tpu.memory_space<hbm>>, %arg3: memref<2048xi32, #tpu.memory_space<hbm>>, %arg4: memref<2048xi32, #tpu.memory_space<hbm>>, %arg5: memref<2048x1024xf32, #tpu.memory_space<hbm>>, %arg6: memref<2048x1024xf32, #tpu.memory_space<hbm>>, %arg7: memref<64xi32, #tpu.memory_space<vmem>>, %arg8: memref<64xi32, #tpu.memory_space<vmem>>, %arg9: memref<64x1024xf32, #tpu.memory_space<vmem>>, %arg10: memref<!tpu.dma_semaphore, #tpu.memory_space<semaphore_mem>>) attributes {dimension_semantics = [#tpu.dimension_semantics<core_parallel>, #tpu.dimension_semantics<subcore_parallel>], iteration_bounds = array<i64: 2, 16>, scalar_prefetch = 0 : i64, scratch_operands = 4 : i64, tpu.core_type = #tpu.core_type<sc_vector_subcore>, window_params = [{transform_indices = #map}, {transform_indices = #map1}, {transform_indices = #map1}, {transform_indices = #map}, {transform_indices = #map}]} {
    %mul3A = arith.constant 2 : i32
    %mul3A_0 = arith.muli %arg1, %mul3A : i32
    %add3A = arith.addi %mul3A_0, %arg0 : i32
    %mul3A_1 = arith.constant 64 : i32
    %mul3A_2 = arith.muli %add3A, %mul3A_1 : i32
    "tpu.region"() ({
      %run_scoped3A = tpu.sem_alloc : memref<!tpu.dma_semaphore, #tpu.memory_space<semaphore_mem>>
      %dma_start3A_13 = tpu.memref_slice %arg3[%mul3A_2] : memref<2048xi32, #tpu.memory_space<hbm>> -> memref<64xi32, #tpu.memory_space<hbm>>
      %dma_start3A_14 = tpu.memref_slice %arg3[%mul3A_2] : memref<2048xi32, #tpu.memory_space<hbm>> -> memref<64xi32, #tpu.memory_space<hbm>>
      tpu.enqueue_dma source(%dma_start3A_14 : memref<64xi32, #tpu.memory_space<hbm>>) target(%arg7 : memref<64xi32, #tpu.memory_space<vmem>>) target_semaphore(%run_scoped3A : memref<!tpu.dma_semaphore, #tpu.memory_space<semaphore_mem>>)
      %dma_wait3A_15 = tpu.memref_slice %arg3[%mul3A_2] : memref<2048xi32, #tpu.memory_space<hbm>> -> memref<64xi32, #tpu.memory_space<hbm>>
      %dma_wait3A_16 = tpu.memref_slice %arg3[%mul3A_2] : memref<2048xi32, #tpu.memory_space<hbm>> -> memref<64xi32, #tpu.memory_space<hbm>>
      tpu.wait_dma2 semaphore(%run_scoped3A : memref<!tpu.dma_semaphore, #tpu.memory_space<semaphore_mem>>) src(%dma_wait3A_16 : memref<64xi32, #tpu.memory_space<hbm>>) dst(%arg7 : memref<64xi32, #tpu.memory_space<vmem>>)
      tpu.yield
    }) : () -> ()
    "tpu.region"() ({
      %run_scoped3A = tpu.sem_alloc : memref<!tpu.dma_semaphore, #tpu.memory_space<semaphore_mem>>
      %dma_start3A_13 = tpu.memref_slice %arg4[%mul3A_2] : memref<2048xi32, #tpu.memory_space<hbm>> -> memref<64xi32, #tpu.memory_space<hbm>>
      %dma_start3A_14 = tpu.memref_slice %arg4[%mul3A_2] : memref<2048xi32, #tpu.memory_space<hbm>> -> memref<64xi32, #tpu.memory_space<hbm>>
      tpu.enqueue_dma source(%dma_start3A_14 : memref<64xi32, #tpu.memory_space<hbm>>) target(%arg8 : memref<64xi32, #tpu.memory_space<vmem>>) target_semaphore(%run_scoped3A : memref<!tpu.dma_semaphore, #tpu.memory_space<semaphore_mem>>)
      %dma_wait3A_15 = tpu.memref_slice %arg4[%mul3A_2] : memref<2048xi32, #tpu.memory_space<hbm>> -> memref<64xi32, #tpu.memory_space<hbm>>
      %dma_wait3A_16 = tpu.memref_slice %arg4[%mul3A_2] : memref<2048xi32, #tpu.memory_space<hbm>> -> memref<64xi32, #tpu.memory_space<hbm>>
      tpu.wait_dma2 semaphore(%run_scoped3A : memref<!tpu.dma_semaphore, #tpu.memory_space<semaphore_mem>>) src(%dma_wait3A_16 : memref<64xi32, #tpu.memory_space<hbm>>) dst(%arg8 : memref<64xi32, #tpu.memory_space<vmem>>)
      tpu.yield
    }) : () -> ()
    %dma_start3A = arith.constant 0 : i32
    %dma_start3A_3 = arith.constant 0 : i32
    %dma_start3A_4 = tpu.memref_slice %arg2[%dma_start3A, %dma_start3A_3] : memref<4736x1024xf32, #tpu.memory_space<hbm>> -> memref<4736x1024xf32, #tpu.memory_space<hbm>>
    tpu.enqueue_indirect_dma source(%dma_start3A_4 : memref<4736x1024xf32, #tpu.memory_space<hbm>>) target(%arg9 : memref<64x1024xf32, #tpu.memory_space<vmem>>) offsets(%arg7 : memref<64xi32, #tpu.memory_space<vmem>>) semaphore(%arg10 : memref<!tpu.dma_semaphore, #tpu.memory_space<semaphore_mem>>)
    %dma_wait3A = arith.constant 0 : i32
    %dma_wait3A_5 = arith.constant 0 : i32
    %dma_wait3A_6 = tpu.memref_slice %arg2[%dma_wait3A, %dma_wait3A_5] : memref<4736x1024xf32, #tpu.memory_space<hbm>> -> memref<4736x1024xf32, #tpu.memory_space<hbm>>
    tpu.wait_indirect_dma semaphore(%arg10 : memref<!tpu.dma_semaphore, #tpu.memory_space<semaphore_mem>>) src(%dma_wait3A_6 : memref<4736x1024xf32, #tpu.memory_space<hbm>>) dst(%arg9 : memref<64x1024xf32, #tpu.memory_space<vmem>>)
    "tpu.region"() ({
      %run_scoped3A = tpu.sem_alloc : memref<!tpu.dma_semaphore, #tpu.memory_space<semaphore_mem>>
      %dma_start3A_13 = arith.constant 0 : i32
      %dma_start3A_14 = tpu.memref_slice %arg5[%mul3A_2, %dma_start3A_13] : memref<2048x1024xf32, #tpu.memory_space<hbm>> -> memref<64x1024xf32, #tpu.memory_space<hbm>>
      %dma_start3A_15 = arith.constant 0 : i32
      %dma_start3A_16 = tpu.memref_slice %arg5[%mul3A_2, %dma_start3A_15] : memref<2048x1024xf32, #tpu.memory_space<hbm>> -> memref<64x1024xf32, #tpu.memory_space<hbm>>
      tpu.enqueue_dma source(%arg9 : memref<64x1024xf32, #tpu.memory_space<vmem>>) target(%dma_start3A_16 : memref<64x1024xf32, #tpu.memory_space<hbm>>) target_semaphore(%run_scoped3A : memref<!tpu.dma_semaphore, #tpu.memory_space<semaphore_mem>>)
      %dma_wait3A_17 = arith.constant 0 : i32
      %dma_wait3A_18 = tpu.memref_slice %arg5[%mul3A_2, %dma_wait3A_17] : memref<2048x1024xf32, #tpu.memory_space<hbm>> -> memref<64x1024xf32, #tpu.memory_space<hbm>>
      %dma_wait3A_19 = arith.constant 0 : i32
      %dma_wait3A_20 = tpu.memref_slice %arg5[%mul3A_2, %dma_wait3A_19] : memref<2048x1024xf32, #tpu.memory_space<hbm>> -> memref<64x1024xf32, #tpu.memory_space<hbm>>
      tpu.wait_dma2 semaphore(%run_scoped3A : memref<!tpu.dma_semaphore, #tpu.memory_space<semaphore_mem>>) src(%arg9 : memref<64x1024xf32, #tpu.memory_space<vmem>>) dst(%dma_wait3A_20 : memref<64x1024xf32, #tpu.memory_space<hbm>>)
      tpu.yield
    }) : () -> ()
    %dma_start3A_7 = arith.constant 0 : i32
    %dma_start3A_8 = arith.constant 0 : i32
    %dma_start3A_9 = tpu.memref_slice %arg2[%dma_start3A_7, %dma_start3A_8] : memref<4736x1024xf32, #tpu.memory_space<hbm>> -> memref<4736x1024xf32, #tpu.memory_space<hbm>>
    tpu.enqueue_indirect_dma source(%dma_start3A_9 : memref<4736x1024xf32, #tpu.memory_space<hbm>>) target(%arg9 : memref<64x1024xf32, #tpu.memory_space<vmem>>) offsets(%arg8 : memref<64xi32, #tpu.memory_space<vmem>>) semaphore(%arg10 : memref<!tpu.dma_semaphore, #tpu.memory_space<semaphore_mem>>)
    %dma_wait3A_10 = arith.constant 0 : i32
    %dma_wait3A_11 = arith.constant 0 : i32
    %dma_wait3A_12 = tpu.memref_slice %arg2[%dma_wait3A_10, %dma_wait3A_11] : memref<4736x1024xf32, #tpu.memory_space<hbm>> -> memref<4736x1024xf32, #tpu.memory_space<hbm>>
    tpu.wait_indirect_dma semaphore(%arg10 : memref<!tpu.dma_semaphore, #tpu.memory_space<semaphore_mem>>) src(%dma_wait3A_12 : memref<4736x1024xf32, #tpu.memory_space<hbm>>) dst(%arg9 : memref<64x1024xf32, #tpu.memory_space<vmem>>)
    "tpu.region"() ({
      %run_scoped3A = tpu.sem_alloc : memref<!tpu.dma_semaphore, #tpu.memory_space<semaphore_mem>>
      %dma_start3A_13 = arith.constant 0 : i32
      %dma_start3A_14 = tpu.memref_slice %arg6[%mul3A_2, %dma_start3A_13] : memref<2048x1024xf32, #tpu.memory_space<hbm>> -> memref<64x1024xf32, #tpu.memory_space<hbm>>
      %dma_start3A_15 = arith.constant 0 : i32
      %dma_start3A_16 = tpu.memref_slice %arg6[%mul3A_2, %dma_start3A_15] : memref<2048x1024xf32, #tpu.memory_space<hbm>> -> memref<64x1024xf32, #tpu.memory_space<hbm>>
      tpu.enqueue_dma source(%arg9 : memref<64x1024xf32, #tpu.memory_space<vmem>>) target(%dma_start3A_16 : memref<64x1024xf32, #tpu.memory_space<hbm>>) target_semaphore(%run_scoped3A : memref<!tpu.dma_semaphore, #tpu.memory_space<semaphore_mem>>)
      %dma_wait3A_17 = arith.constant 0 : i32
      %dma_wait3A_18 = tpu.memref_slice %arg6[%mul3A_2, %dma_wait3A_17] : memref<2048x1024xf32, #tpu.memory_space<hbm>> -> memref<64x1024xf32, #tpu.memory_space<hbm>>
      %dma_wait3A_19 = arith.constant 0 : i32
      %dma_wait3A_20 = tpu.memref_slice %arg6[%mul3A_2, %dma_wait3A_19] : memref<2048x1024xf32, #tpu.memory_space<hbm>> -> memref<64x1024xf32, #tpu.memory_space<hbm>>
      tpu.wait_dma2 semaphore(%run_scoped3A : memref<!tpu.dma_semaphore, #tpu.memory_space<semaphore_mem>>) src(%arg9 : memref<64x1024xf32, #tpu.memory_space<vmem>>) dst(%dma_wait3A_20 : memref<64x1024xf32, #tpu.memory_space<hbm>>)
      tpu.yield
    }) : () -> ()
    return
  }
}

module attributes {stable_mosaic.version = 14 : i64} {
  func.func @_gmm_kernel(%arg0: i32, %arg1: memref<64xi32, #tpu.memory_space<smem>>, %arg2: memref<64xi32, #tpu.memory_space<smem>>, %arg3: memref<4736x1024xf32, #tpu.memory_space<vmem>>, %arg4: memref<1x1024x1024xf32, #tpu.memory_space<vmem>>, %arg5: memref<1x1024x512xf32, #tpu.memory_space<vmem>>, %arg6: memref<4736x1024xf32, #tpu.memory_space<vmem>>) attributes {dimension_semantics = [#tpu.dimension_semantics<arbitrary>], iteration_bounds = array<i64: 64>, scalar_prefetch = 0 : i64, scratch_operands = 0 : i64, tpu.core_type = #tpu.core_type<tc>, window_params = [{transform_indices = @transform_0, window_bounds = array<i64: 64>}, {transform_indices = @transform_1, window_bounds = array<i64: 64>}, {pipeline_mode = #tpu.pipeline_mode<synchronous>, transform_indices = @transform_2, window_bounds = array<i64: 4736, 1024>}, {transform_indices = @transform_3, window_bounds = array<i64: 1, 1024, 1024>}, {transform_indices = @transform_4, window_bounds = array<i64: 1, 1024, 512>}, {pipeline_mode = #tpu.pipeline_mode<synchronous>, transform_indices = @transform_5, window_bounds = array<i64: 4736, 1024>}]} {
    %get3A = arith.index_cast %arg0 : i32 to index
    %get3A_0 = memref.load %arg2[%get3A] : memref<64xi32, #tpu.memory_space<smem>>
    %get3A_1 = arith.index_cast %arg0 : i32 to index
    %get3A_2 = memref.load %arg1[%get3A_1] : memref<64xi32, #tpu.memory_space<smem>>
    %add3A = arith.constant 96 : i32
    %add3A_3 = arith.addi %get3A_0, %add3A : i32
    %sub3A = arith.constant 1 : i32
    %sub3A_4 = arith.subi %add3A_3, %sub3A : i32
    %jit3A = arith.constant 96 : i32
    %div3A = arith.divsi %sub3A_4, %jit3A : i32
    %sign3A = arith.constant 0 : i32
    %sign3A_5 = arith.cmpi sgt, %sub3A_4, %sign3A : i32
    %sign3A_6 = arith.extui %sign3A_5 : i1 to i32
    %sign3A_7 = arith.constant 0 : i32
    %sign3A_8 = arith.cmpi slt, %sub3A_4, %sign3A_7 : i32
    %sign3A_9 = arith.extui %sign3A_8 : i1 to i32
    %sign3A_10 = arith.subi %sign3A_6, %sign3A_9 : i32
    %sign3A_11 = arith.constant 0 : i32
    %sign3A_12 = arith.cmpi sgt, %jit3A, %sign3A_11 : i32
    %sign3A_13 = arith.extui %sign3A_12 : i1 to i32
    %sign3A_14 = arith.constant 0 : i32
    %sign3A_15 = arith.cmpi slt, %jit3A, %sign3A_14 : i32
    %sign3A_16 = arith.extui %sign3A_15 : i1 to i32
    %sign3A_17 = arith.subi %sign3A_13, %sign3A_16 : i32
    %ne3A = arith.cmpi ne, %sign3A_10, %sign3A_17 : i32
    %rem3A = arith.remsi %sub3A_4, %jit3A : i32
    %ne3A_18 = arith.constant 0 : i32
    %ne3A_19 = arith.cmpi ne, %rem3A, %ne3A_18 : i32
    %and3A = arith.andi %ne3A, %ne3A_19 : i1
    %sub3A_20 = arith.constant 1 : i32
    %sub3A_21 = arith.subi %div3A, %sub3A_20 : i32
    %select_n3A = arith.select %and3A, %sub3A_21, %div3A : i32
    %while3A = arith.constant 0 : i32
    %while3A_22 = arith.constant 0 : i32
    %while3A_23 = arith.subi %select_n3A, %while3A : i32
    %while3A_24 = arith.addi %while3A, %while3A_23 : i32
    %while3A_25 = arith.constant 1 : i32
    %while3A_26 = arith.divsi %while3A_23, %while3A_25 : i32
    %while3A_27 = arith.muli %while3A_26, %while3A_25 : i32
    %while3A_28 = arith.addi %while3A, %while3A_27 : i32
    %while3A_29 = arith.constant 1 : i32
    %while3A_30 = scf.for %while3A_33 = %while3A to %while3A_28 step %while3A_29 iter_args(%while3A_34 = %while3A_22) -> (i32)  : i32 {
      %mul3A = arith.constant 96 : i32
      %mul3A_35 = arith.muli %while3A_33, %mul3A : i32
      %add3A_36 = arith.addi %get3A_2, %mul3A_35 : i32
      %multiple_of3A = tpu.assume_multiple %add3A_36, 8 : i32
      %get3A_37 = arith.index_cast %multiple_of3A : i32 to index
      %get3A_38 = arith.constant 0 : index
      %get3A_39 = vector.load %arg3[%get3A_37, %get3A_38] : memref<4736x1024xf32, #tpu.memory_space<vmem>>, vector<96x1024xf32>
      %get3A_40 = arith.constant 0 : index
      %get3A_41 = arith.constant 0 : index
      %get3A_42 = arith.constant 0 : index
      %get3A_43 = vector.load %arg4[%get3A_40, %get3A_41, %get3A_42] : memref<1x1024x1024xf32, #tpu.memory_space<vmem>>, vector<1x1024x1024xf32>
      %get3A_44 = vector.shape_cast %get3A_43 : vector<1x1024x1024xf32> to vector<1024x1024xf32>
      %dot_general3A = arith.constant dense<0.000000e+00> : vector<96x1024xf32>
      %dot_general3A_45 = tpu.matmul %get3A_39, %get3A_44, %dot_general3A {dimension_numbers = #tpu.dot_dimension_numbers<[1], [1], [0], [0], [0, 0, 1, 0], [], []>, transpose_lhs_hint = false} : vector<96x1024xf32>, vector<1024x1024xf32>, vector<96x1024xf32> -> vector<96x1024xf32>
      %slice3A = vector.extract_strided_slice %dot_general3A_45 {offsets = [0, 0], sizes = [96, 512], strides = [1, 1]} : vector<96x1024xf32> to vector<96x512xf32>
      %slice3A_46 = vector.extract_strided_slice %dot_general3A_45 {offsets = [0, 512], sizes = [96, 512], strides = [1, 1]} : vector<96x1024xf32> to vector<96x512xf32>
      %logistic3A = arith.negf %slice3A : vector<96x512xf32>
      %logistic3A_47 = math.exp %logistic3A : vector<96x512xf32>
      %logistic3A_48 = arith.constant 1.000000e+00 : f32
      %logistic3A_49 = vector.broadcast %logistic3A_48 : f32 to vector<96x512xf32>
      %logistic3A_50 = arith.addf %logistic3A_49, %logistic3A_47 : vector<96x512xf32>
      %logistic3A_51 = arith.divf %logistic3A_49, %logistic3A_50 : vector<96x512xf32>
      %mul3A_52 = arith.mulf %slice3A, %logistic3A_51 : vector<96x512xf32>
      %mul3A_53 = arith.mulf %mul3A_52, %slice3A_46 : vector<96x512xf32>
      %get3A_54 = arith.constant 0 : index
      %get3A_55 = arith.constant 0 : index
      %get3A_56 = arith.constant 0 : index
      %get3A_57 = vector.load %arg5[%get3A_54, %get3A_55, %get3A_56] : memref<1x1024x512xf32, #tpu.memory_space<vmem>>, vector<1x1024x512xf32>
      %get3A_58 = vector.shape_cast %get3A_57 : vector<1x1024x512xf32> to vector<1024x512xf32>
      %dot_general3A_59 = arith.constant dense<0.000000e+00> : vector<96x1024xf32>
      %dot_general3A_60 = tpu.matmul %mul3A_53, %get3A_58, %dot_general3A_59 {dimension_numbers = #tpu.dot_dimension_numbers<[1], [1], [0], [0], [0, 0, 1, 0], [], []>, transpose_lhs_hint = false} : vector<96x512xf32>, vector<1024x512xf32>, vector<96x1024xf32> -> vector<96x1024xf32>
      %swap3A = arith.index_cast %multiple_of3A : i32 to index
      %swap3A_61 = arith.constant 0 : index
      %swap3A_62 = vector.load %arg6[%swap3A, %swap3A_61] : memref<4736x1024xf32, #tpu.memory_space<vmem>>, vector<96x1024xf32>
      tpu.vector_store %arg6[%swap3A, %swap3A_61], %dot_general3A_60 {strides = array<i32>} : memref<4736x1024xf32, #tpu.memory_space<vmem>>, vector<96x1024xf32>,
      %while3A_63 = arith.constant 0 : i32
      scf.yield %while3A_63 : i32
    }
    %while3A_31 = arith.constant 1 : i32
    %while3A_32 = scf.for %while3A_33 = %while3A_28 to %while3A_24 step %while3A_31 iter_args(%while3A_34 = %while3A_30) -> (i32)  : i32 {
      %mul3A = arith.constant 96 : i32
      %mul3A_35 = arith.muli %while3A_33, %mul3A : i32
      %add3A_36 = arith.addi %get3A_2, %mul3A_35 : i32
      %multiple_of3A = tpu.assume_multiple %add3A_36, 8 : i32
      %get3A_37 = arith.index_cast %multiple_of3A : i32 to index
      %get3A_38 = arith.constant 0 : index
      %get3A_39 = vector.load %arg3[%get3A_37, %get3A_38] : memref<4736x1024xf32, #tpu.memory_space<vmem>>, vector<96x1024xf32>
      %get3A_40 = arith.constant 0 : index
      %get3A_41 = arith.constant 0 : index
      %get3A_42 = arith.constant 0 : index
      %get3A_43 = vector.load %arg4[%get3A_40, %get3A_41, %get3A_42] : memref<1x1024x1024xf32, #tpu.memory_space<vmem>>, vector<1x1024x1024xf32>
      %get3A_44 = vector.shape_cast %get3A_43 : vector<1x1024x1024xf32> to vector<1024x1024xf32>
      %dot_general3A = arith.constant dense<0.000000e+00> : vector<96x1024xf32>
      %dot_general3A_45 = tpu.matmul %get3A_39, %get3A_44, %dot_general3A {dimension_numbers = #tpu.dot_dimension_numbers<[1], [1], [0], [0], [0, 0, 1, 0], [], []>, transpose_lhs_hint = false} : vector<96x1024xf32>, vector<1024x1024xf32>, vector<96x1024xf32> -> vector<96x1024xf32>
      %slice3A = vector.extract_strided_slice %dot_general3A_45 {offsets = [0, 0], sizes = [96, 512], strides = [1, 1]} : vector<96x1024xf32> to vector<96x512xf32>
      %slice3A_46 = vector.extract_strided_slice %dot_general3A_45 {offsets = [0, 512], sizes = [96, 512], strides = [1, 1]} : vector<96x1024xf32> to vector<96x512xf32>
      %logistic3A = arith.negf %slice3A : vector<96x512xf32>
      %logistic3A_47 = math.exp %logistic3A : vector<96x512xf32>
      %logistic3A_48 = arith.constant 1.000000e+00 : f32
      %logistic3A_49 = vector.broadcast %logistic3A_48 : f32 to vector<96x512xf32>
      %logistic3A_50 = arith.addf %logistic3A_49, %logistic3A_47 : vector<96x512xf32>
      %logistic3A_51 = arith.divf %logistic3A_49, %logistic3A_50 : vector<96x512xf32>
      %mul3A_52 = arith.mulf %slice3A, %logistic3A_51 : vector<96x512xf32>
      %mul3A_53 = arith.mulf %mul3A_52, %slice3A_46 : vector<96x512xf32>
      %get3A_54 = arith.constant 0 : index
      %get3A_55 = arith.constant 0 : index
      %get3A_56 = arith.constant 0 : index
      %get3A_57 = vector.load %arg5[%get3A_54, %get3A_55, %get3A_56] : memref<1x1024x512xf32, #tpu.memory_space<vmem>>, vector<1x1024x512xf32>
      %get3A_58 = vector.shape_cast %get3A_57 : vector<1x1024x512xf32> to vector<1024x512xf32>
      %dot_general3A_59 = arith.constant dense<0.000000e+00> : vector<96x1024xf32>
      %dot_general3A_60 = tpu.matmul %mul3A_53, %get3A_58, %dot_general3A_59 {dimension_numbers = #tpu.dot_dimension_numbers<[1], [1], [0], [0], [0, 0, 1, 0], [], []>, transpose_lhs_hint = false} : vector<96x512xf32>, vector<1024x512xf32>, vector<96x1024xf32> -> vector<96x1024xf32>
      %swap3A = arith.index_cast %multiple_of3A : i32 to index
      %swap3A_61 = arith.constant 0 : index
      %swap3A_62 = vector.load %arg6[%swap3A, %swap3A_61] : memref<4736x1024xf32, #tpu.memory_space<vmem>>, vector<96x1024xf32>
      tpu.vector_store %arg6[%swap3A, %swap3A_61], %dot_general3A_60 {strides = array<i32>} : memref<4736x1024xf32, #tpu.memory_space<vmem>>, vector<96x1024xf32>,
      %while3A_63 = arith.constant 0 : i32
      scf.yield %while3A_63 : i32
    }
    return
  }
  func.func @transform_0(%arg0: i32) -> i32 {
    %c0_i32 = arith.constant 0 : i32
    %c0_i32_0 = arith.constant 0 : i32
    return %c0_i32 : i32
  }
  func.func @transform_1(%arg0: i32) -> i32 {
    %c0_i32 = arith.constant 0 : i32
    %c0_i32_0 = arith.constant 0 : i32
    return %c0_i32 : i32
  }
  func.func @transform_2(%arg0: i32) -> (i32, i32) {
    %c0_i32 = arith.constant 0 : i32
    %c0_i32_0 = arith.constant 0 : i32
    %c0_i32_1 = arith.constant 0 : i32
    return %c0_i32, %c0_i32_0 : i32, i32
  }
  func.func @transform_3(%arg0: i32) -> (i32, i32, i32) {
    %c0_i32 = arith.constant 0 : i32
    %c0_i32_0 = arith.constant 0 : i32
    %c0_i32_1 = arith.constant 0 : i32
    return %arg0, %c0_i32, %c0_i32_0 : i32, i32, i32
  }
  func.func @transform_4(%arg0: i32) -> (i32, i32, i32) {
    %c0_i32 = arith.constant 0 : i32
    %c0_i32_0 = arith.constant 0 : i32
    %c0_i32_1 = arith.constant 0 : i32
    return %arg0, %c0_i32, %c0_i32_0 : i32, i32, i32
  }
  func.func @transform_5(%arg0: i32) -> (i32, i32) {
    %c0_i32 = arith.constant 0 : i32
    %c0_i32_0 = arith.constant 0 : i32
    %c0_i32_1 = arith.constant 0 : i32
    return %c0_i32, %c0_i32_0 : i32, i32
  }
}

module attributes {stable_mosaic.version = 14 : i64} {
  func.func @_combine_kernel(%arg0: i32, %arg1: memref<256x1024xf32, #tpu.memory_space<vmem>>, %arg2: memref<256x1024xf32, #tpu.memory_space<vmem>>, %arg3: memref<256x1xf32, #tpu.memory_space<vmem>>, %arg4: memref<256x1xf32, #tpu.memory_space<vmem>>, %arg5: memref<256x1024xf32, #tpu.memory_space<vmem>>) attributes {dimension_semantics = [#tpu.dimension_semantics<arbitrary>], iteration_bounds = array<i64: 8>, scalar_prefetch = 0 : i64, scratch_operands = 0 : i64, tpu.core_type = #tpu.core_type<tc>, window_params = [{transform_indices = @transform_0, window_bounds = array<i64: 256, 1024>}, {transform_indices = @transform_1, window_bounds = array<i64: 256, 1024>}, {transform_indices = @transform_2, window_bounds = array<i64: 256, 1>}, {transform_indices = @transform_3, window_bounds = array<i64: 256, 1>}, {transform_indices = @transform_4, window_bounds = array<i64: 256, 1024>}]} {
    %get3A = arith.constant 0 : index
    %get3A_0 = arith.constant 0 : index
    %get3A_1 = vector.load %arg3[%get3A, %get3A_0] : memref<256x1xf32, #tpu.memory_space<vmem>>, vector<256x1xf32>
    %get3A_2 = arith.constant 0 : index
    %get3A_3 = arith.constant 0 : index
    %get3A_4 = vector.load %arg1[%get3A_2, %get3A_3] : memref<256x1024xf32, #tpu.memory_space<vmem>>, vector<256x1024xf32>
    %mul3A = vector.broadcast %get3A_1 : vector<256x1xf32> to vector<256x1024xf32>
    %mul3A_5 = arith.mulf %mul3A, %get3A_4 : vector<256x1024xf32>
    %get3A_6 = arith.constant 0 : index
    %get3A_7 = arith.constant 0 : index
    %get3A_8 = vector.load %arg4[%get3A_6, %get3A_7] : memref<256x1xf32, #tpu.memory_space<vmem>>, vector<256x1xf32>
    %get3A_9 = arith.constant 0 : index
    %get3A_10 = arith.constant 0 : index
    %get3A_11 = vector.load %arg2[%get3A_9, %get3A_10] : memref<256x1024xf32, #tpu.memory_space<vmem>>, vector<256x1024xf32>
    %mul3A_12 = vector.broadcast %get3A_8 : vector<256x1xf32> to vector<256x1024xf32>
    %mul3A_13 = arith.mulf %mul3A_12, %get3A_11 : vector<256x1024xf32>
    %add3A = arith.addf %mul3A_5, %mul3A_13 : vector<256x1024xf32>
    %swap3A = arith.constant 0 : index
    %swap3A_14 = arith.constant 0 : index
    %swap3A_15 = vector.load %arg5[%swap3A, %swap3A_14] : memref<256x1024xf32, #tpu.memory_space<vmem>>, vector<256x1024xf32>
    tpu.vector_store %arg5[%swap3A, %swap3A_14], %add3A {strides = array<i32>} : memref<256x1024xf32, #tpu.memory_space<vmem>>, vector<256x1024xf32>,
    return
  }
  func.func @transform_0(%arg0: i32) -> (i32, i32) {
    %c0_i32 = arith.constant 0 : i32
    %c0_i32_0 = arith.constant 0 : i32
    return %arg0, %c0_i32 : i32, i32
  }
  func.func @transform_1(%arg0: i32) -> (i32, i32) {
    %c0_i32 = arith.constant 0 : i32
    %c0_i32_0 = arith.constant 0 : i32
    return %arg0, %c0_i32 : i32, i32
  }
  func.func @transform_2(%arg0: i32) -> (i32, i32) {
    %c0_i32 = arith.constant 0 : i32
    %c0_i32_0 = arith.constant 0 : i32
    return %arg0, %c0_i32 : i32, i32
  }
  func.func @transform_3(%arg0: i32) -> (i32, i32) {
    %c0_i32 = arith.constant 0 : i32
    %c0_i32_0 = arith.constant 0 : i32
    return %arg0, %c0_i32 : i32, i32
  }
  func.func @transform_4(%arg0: i32) -> (i32, i32) {
    %c0_i32 = arith.constant 0 : i32
    %c0_i32_0 = arith.constant 0 : i32
    return %arg0, %c0_i32 : i32, i32
  }
}

module attributes {stable_mosaic.version = 14 : i64} {
  func.func @_routing_kernel(%arg0: memref<2048x64xf32, #tpu.memory_space<vmem>>, %arg1: memref<2048x1xi32, #tpu.memory_space<vmem>>, %arg2: memref<2048x1xi32, #tpu.memory_space<vmem>>, %arg3: memref<2048x1xf32, #tpu.memory_space<vmem>>, %arg4: memref<2048x1xf32, #tpu.memory_space<vmem>>, %arg5: memref<1x64xi32, #tpu.memory_space<vmem>>, %arg6: memref<1x64xi32, #tpu.memory_space<vmem>>) attributes {dimension_semantics = [], scalar_prefetch = 0 : i64, scratch_operands = 0 : i64, tpu.core_type = #tpu.core_type<tc>} {
    %get3A = arith.constant 0 : index
    %get3A_0 = arith.constant 0 : index
    %get3A_1 = vector.load %arg0[%get3A, %get3A_0] : memref<2048x64xf32, #tpu.memory_space<vmem>>, vector<2048x64xf32>
    %iota3A = tpu.iota {dimensions = array<i32: 1>} : vector<2048x64xi32>
    %reduce_max3A = arith.constant dense<0xFF800000> : vector<2048xf32>
    %reduce_max3A_2 = vector.multi_reduction <maximumf>, %get3A_1, %reduce_max3A [1] : vector<2048x64xf32> to vector<2048xf32>
    %broadcast_in_dim3A = vector.shape_cast %reduce_max3A_2 : vector<2048xf32> to vector<2048x1xf32>
    %eq3A = vector.broadcast %broadcast_in_dim3A : vector<2048x1xf32> to vector<2048x64xf32>
    %eq3A_3 = arith.cmpf oeq, %get3A_1, %eq3A : vector<2048x64xf32>
    %jit3A = arith.constant 64 : i32
    %broadcast_in_dim3A_4 = vector.broadcast %jit3A : i32 to vector<2048x64xi32>
    %select_n3A = arith.select %eq3A_3, %iota3A, %broadcast_in_dim3A_4 : vector<2048x64xi1>, vector<2048x64xi32>
    %reduce_min3A = arith.constant dense<2147483647> : vector<2048xi32>
    %reduce_min3A_5 = vector.multi_reduction <minsi>, %select_n3A, %reduce_min3A [1] : vector<2048x64xi32> to vector<2048xi32>
    %broadcast_in_dim3A_6 = vector.shape_cast %reduce_min3A_5 : vector<2048xi32> to vector<2048x1xi32>
    %eq3A_7 = vector.broadcast %broadcast_in_dim3A_6 : vector<2048x1xi32> to vector<2048x64xi32>
    %eq3A_8 = arith.cmpi eq, %iota3A, %eq3A_7 : vector<2048x64xi32>
    %jit3A_9 = arith.constant 0xFF800000 : f32
    %broadcast_in_dim3A_10 = vector.broadcast %jit3A_9 : f32 to vector<2048x64xf32>
    %select_n3A_11 = arith.select %eq3A_8, %broadcast_in_dim3A_10, %get3A_1 : vector<2048x64xi1>, vector<2048x64xf32>
    %reduce_max3A_12 = arith.constant dense<0xFF800000> : vector<2048xf32>
    %reduce_max3A_13 = vector.multi_reduction <maximumf>, %select_n3A_11, %reduce_max3A_12 [1] : vector<2048x64xf32> to vector<2048xf32>
    %broadcast_in_dim3A_14 = vector.shape_cast %reduce_max3A_13 : vector<2048xf32> to vector<2048x1xf32>
    %eq3A_15 = vector.broadcast %broadcast_in_dim3A_14 : vector<2048x1xf32> to vector<2048x64xf32>
    %eq3A_16 = arith.cmpf oeq, %select_n3A_11, %eq3A_15 : vector<2048x64xf32>
    %jit3A_17 = arith.constant 64 : i32
    %broadcast_in_dim3A_18 = vector.broadcast %jit3A_17 : i32 to vector<2048x64xi32>
    %select_n3A_19 = arith.select %eq3A_16, %iota3A, %broadcast_in_dim3A_18 : vector<2048x64xi1>, vector<2048x64xi32>
    %reduce_min3A_20 = arith.constant dense<2147483647> : vector<2048xi32>
    %reduce_min3A_21 = vector.multi_reduction <minsi>, %select_n3A_19, %reduce_min3A_20 [1] : vector<2048x64xi32> to vector<2048xi32>
    %broadcast_in_dim3A_22 = vector.shape_cast %reduce_min3A_21 : vector<2048xi32> to vector<2048x1xi32>
    %sub3A = arith.subf %broadcast_in_dim3A, %broadcast_in_dim3A_14 : vector<2048x1xf32>
    %logistic3A = arith.negf %sub3A : vector<2048x1xf32>
    %logistic3A_23 = math.exp %logistic3A : vector<2048x1xf32>
    %logistic3A_24 = arith.constant 1.000000e+00 : f32
    %logistic3A_25 = vector.broadcast %logistic3A_24 : f32 to vector<2048x1xf32>
    %logistic3A_26 = arith.addf %logistic3A_25, %logistic3A_23 : vector<2048x1xf32>
    %logistic3A_27 = arith.divf %logistic3A_25, %logistic3A_26 : vector<2048x1xf32>
    %swap3A = arith.constant 0 : index
    %swap3A_28 = arith.constant 0 : index
    %swap3A_29 = vector.load %arg3[%swap3A, %swap3A_28] : memref<2048x1xf32, #tpu.memory_space<vmem>>, vector<2048x1xf32>
    tpu.vector_store %arg3[%swap3A, %swap3A_28], %logistic3A_27 {strides = array<i32>} : memref<2048x1xf32, #tpu.memory_space<vmem>>, vector<2048x1xf32>,
    %sub3A_30 = arith.constant 1.000000e+00 : f32
    %sub3A_31 = vector.broadcast %sub3A_30 : f32 to vector<2048x1xf32>
    %sub3A_32 = arith.subf %sub3A_31, %logistic3A_27 : vector<2048x1xf32>
    %swap3A_33 = arith.constant 0 : index
    %swap3A_34 = arith.constant 0 : index
    %swap3A_35 = vector.load %arg4[%swap3A_33, %swap3A_34] : memref<2048x1xf32, #tpu.memory_space<vmem>>, vector<2048x1xf32>
    tpu.vector_store %arg4[%swap3A_33, %swap3A_34], %sub3A_32 {strides = array<i32>} : memref<2048x1xf32, #tpu.memory_space<vmem>>, vector<2048x1xf32>,
    %eq3A_36 = vector.broadcast %broadcast_in_dim3A_6 : vector<2048x1xi32> to vector<2048x64xi32>
    %eq3A_37 = arith.cmpi eq, %iota3A, %eq3A_36 : vector<2048x64xi32>
    %convert_element_type3A = arith.extui %eq3A_37 : vector<2048x64xi1> to vector<2048x64xi32>
    %convert_element_type3A_38 = arith.sitofp %convert_element_type3A : vector<2048x64xi32> to vector<2048x64xf32>
    %eq3A_39 = vector.broadcast %broadcast_in_dim3A_22 : vector<2048x1xi32> to vector<2048x64xi32>
    %eq3A_40 = arith.cmpi eq, %iota3A, %eq3A_39 : vector<2048x64xi32>
    %convert_element_type3A_41 = arith.extui %eq3A_40 : vector<2048x64xi1> to vector<2048x64xi32>
    %convert_element_type3A_42 = arith.sitofp %convert_element_type3A_41 : vector<2048x64xi32> to vector<2048x64xf32>
    %reduce_sum3A = arith.constant dense<0.000000e+00> : vector<64xf32>
    %reduce_sum3A_43 = vector.multi_reduction <add>, %convert_element_type3A_38, %reduce_sum3A [0] : vector<2048x64xf32> to vector<64xf32>
    %broadcast_in_dim3A_44 = vector.shape_cast %reduce_sum3A_43 : vector<64xf32> to vector<1x64xf32>
    %reduce_sum3A_45 = arith.constant dense<0.000000e+00> : vector<64xf32>
    %reduce_sum3A_46 = vector.multi_reduction <add>, %convert_element_type3A_42, %reduce_sum3A_45 [0] : vector<2048x64xf32> to vector<64xf32>
    %broadcast_in_dim3A_47 = vector.shape_cast %reduce_sum3A_46 : vector<64xf32> to vector<1x64xf32>
    %add3A = arith.addf %broadcast_in_dim3A_44, %broadcast_in_dim3A_47 : vector<1x64xf32>
    %convert_element_type3A_48 = arith.fptosi %add3A : vector<1x64xf32> to vector<1x64xi32>
    %swap3A_49 = arith.constant 0 : index
    %swap3A_50 = arith.constant 0 : index
    %swap3A_51 = vector.load %arg5[%swap3A_49, %swap3A_50] : memref<1x64xi32, #tpu.memory_space<vmem>>, vector<1x64xi32>
    tpu.vector_store %arg5[%swap3A_49, %swap3A_50], %convert_element_type3A_48 {strides = array<i32>} : memref<1x64xi32, #tpu.memory_space<vmem>>, vector<1x64xi32>,
    %div3A = arith.constant 8.000000e+00 : f32
    %div3A_52 = vector.broadcast %div3A : f32 to vector<1x64xf32>
    %div3A_53 = arith.divf %add3A, %div3A_52 : vector<1x64xf32>
    %ceil3A = math.ceil %div3A_53 : vector<1x64xf32>
    %mul3A = arith.constant 8.000000e+00 : f32
    %mul3A_54 = vector.broadcast %mul3A : f32 to vector<1x64xf32>
    %mul3A_55 = arith.mulf %ceil3A, %mul3A_54 : vector<1x64xf32>
    %iota3A_56 = tpu.iota {dimensions = array<i32: 0>} : vector<64x64xi32>
    %iota3A_57 = tpu.iota {dimensions = array<i32: 1>} : vector<64x64xi32>
    %lt3A = arith.cmpi slt, %iota3A_56, %iota3A_57 : vector<64x64xi32>
    %convert_element_type3A_58 = arith.extui %lt3A : vector<64x64xi1> to vector<64x64xi32>
    %convert_element_type3A_59 = arith.sitofp %convert_element_type3A_58 : vector<64x64xi32> to vector<64x64xf32>
    %dot_general3A = arith.constant dense<0.000000e+00> : vector<1x64xf32>
    %dot_general3A_60 = tpu.matmul %mul3A_55, %convert_element_type3A_59, %dot_general3A {dimension_numbers = #tpu.dot_dimension_numbers<[1], [0], [0], [1], [0, 0, 1, 1], [], []>, transpose_lhs_hint = false} : vector<1x64xf32>, vector<64x64xf32>, vector<1x64xf32> -> vector<1x64xf32>
    %convert_element_type3A_61 = arith.fptosi %dot_general3A_60 : vector<1x64xf32> to vector<1x64xi32>
    %swap3A_62 = arith.constant 0 : index
    %swap3A_63 = arith.constant 0 : index
    %swap3A_64 = vector.load %arg6[%swap3A_62, %swap3A_63] : memref<1x64xi32, #tpu.memory_space<vmem>>, vector<1x64xi32>
    tpu.vector_store %arg6[%swap3A_62, %swap3A_63], %convert_element_type3A_61 {strides = array<i32>} : memref<1x64xi32, #tpu.memory_space<vmem>>, vector<1x64xi32>,
    %iota3A_65 = tpu.iota {dimensions = array<i32: 0>} : vector<256x256xi32>
    %iota3A_66 = tpu.iota {dimensions = array<i32: 1>} : vector<256x256xi32>
    %lt3A_67 = arith.cmpi slt, %iota3A_66, %iota3A_65 : vector<256x256xi32>
    %convert_element_type3A_68 = arith.extui %lt3A_67 : vector<256x256xi1> to vector<256x256xi32>
    %convert_element_type3A_69 = arith.sitofp %convert_element_type3A_68 : vector<256x256xi32> to vector<256x256xf32>
    %broadcast_in_dim3A_70 = arith.constant 0.000000e+00 : f32
    %broadcast_in_dim3A_71 = vector.broadcast %broadcast_in_dim3A_70 : f32 to vector<1x64xf32>
    %slice3A = vector.extract_strided_slice %convert_element_type3A_38 {offsets = [0, 0], sizes = [256, 64], strides = [1, 1]} : vector<2048x64xf32> to vector<256x64xf32>
    %dot_general3A_72 = arith.constant dense<0.000000e+00> : vector<256x64xf32>
    %dot_general3A_73 = tpu.matmul %convert_element_type3A_69, %slice3A, %dot_general3A_72 {dimension_numbers = #tpu.dot_dimension_numbers<[1], [0], [0], [1], [0, 0, 1, 1], [], []>, transpose_lhs_hint = false} : vector<256x256xf32>, vector<256x64xf32>, vector<256x64xf32> -> vector<256x64xf32>
    %add3A_74 = vector.broadcast %broadcast_in_dim3A_71 : vector<1x64xf32> to vector<256x64xf32>
    %add3A_75 = arith.addf %dot_general3A_73, %add3A_74 : vector<256x64xf32>
    %mul3A_76 = arith.mulf %add3A_75, %slice3A : vector<256x64xf32>
    %reduce_sum3A_77 = arith.constant dense<0.000000e+00> : vector<256xf32>
    %reduce_sum3A_78 = vector.multi_reduction <add>, %mul3A_76, %reduce_sum3A_77 [1] : vector<256x64xf32> to vector<256xf32>
    %broadcast_in_dim3A_79 = vector.shape_cast %reduce_sum3A_78 : vector<256xf32> to vector<256x1xf32>
    %dot_general3A_80 = arith.constant dense<0.000000e+00> : vector<256x1xf32>
    %dot_general3A_81 = tpu.matmul %slice3A, %dot_general3A_60, %dot_general3A_80 {dimension_numbers = #tpu.dot_dimension_numbers<[1], [1], [0], [0], [0, 0, 1, 0], [], []>, transpose_lhs_hint = false} : vector<256x64xf32>, vector<1x64xf32>, vector<256x1xf32> -> vector<256x1xf32>
    %add3A_82 = arith.addf %broadcast_in_dim3A_79, %dot_general3A_81 : vector<256x1xf32>
    %convert_element_type3A_83 = arith.fptosi %add3A_82 : vector<256x1xf32> to vector<256x1xi32>
    %swap3A_84 = arith.constant 0 : index
    %swap3A_85 = arith.constant 0 : index
    %swap3A_86 = vector.load %arg1[%swap3A_84, %swap3A_85] : memref<2048x1xi32, #tpu.memory_space<vmem>>, vector<256x1xi32>
    tpu.vector_store %arg1[%swap3A_84, %swap3A_85], %convert_element_type3A_83 {strides = array<i32>} : memref<2048x1xi32, #tpu.memory_space<vmem>>, vector<256x1xi32>,
    %reduce_sum3A_87 = arith.constant dense<0.000000e+00> : vector<64xf32>
    %reduce_sum3A_88 = vector.multi_reduction <add>, %slice3A, %reduce_sum3A_87 [0] : vector<256x64xf32> to vector<64xf32>
    %broadcast_in_dim3A_89 = vector.shape_cast %reduce_sum3A_88 : vector<64xf32> to vector<1x64xf32>
    %add3A_90 = arith.addf %broadcast_in_dim3A_71, %broadcast_in_dim3A_89 : vector<1x64xf32>
    %slice3A_91 = vector.extract_strided_slice %convert_element_type3A_38 {offsets = [256, 0], sizes = [256, 64], strides = [1, 1]} : vector<2048x64xf32> to vector<256x64xf32>
    %dot_general3A_92 = arith.constant dense<0.000000e+00> : vector<256x64xf32>
    %dot_general3A_93 = tpu.matmul %convert_element_type3A_69, %slice3A_91, %dot_general3A_92 {dimension_numbers = #tpu.dot_dimension_numbers<[1], [0], [0], [1], [0, 0, 1, 1], [], []>, transpose_lhs_hint = false} : vector<256x256xf32>, vector<256x64xf32>, vector<256x64xf32> -> vector<256x64xf32>
    %add3A_94 = vector.broadcast %add3A_90 : vector<1x64xf32> to vector<256x64xf32>
    %add3A_95 = arith.addf %dot_general3A_93, %add3A_94 : vector<256x64xf32>
    %mul3A_96 = arith.mulf %add3A_95, %slice3A_91 : vector<256x64xf32>
    %reduce_sum3A_97 = arith.constant dense<0.000000e+00> : vector<256xf32>
    %reduce_sum3A_98 = vector.multi_reduction <add>, %mul3A_96, %reduce_sum3A_97 [1] : vector<256x64xf32> to vector<256xf32>
    %broadcast_in_dim3A_99 = vector.shape_cast %reduce_sum3A_98 : vector<256xf32> to vector<256x1xf32>
    %dot_general3A_100 = arith.constant dense<0.000000e+00> : vector<256x1xf32>
    %dot_general3A_101 = tpu.matmul %slice3A_91, %dot_general3A_60, %dot_general3A_100 {dimension_numbers = #tpu.dot_dimension_numbers<[1], [1], [0], [0], [0, 0, 1, 0], [], []>, transpose_lhs_hint = false} : vector<256x64xf32>, vector<1x64xf32>, vector<256x1xf32> -> vector<256x1xf32>
    %add3A_102 = arith.addf %broadcast_in_dim3A_99, %dot_general3A_101 : vector<256x1xf32>
    %convert_element_type3A_103 = arith.fptosi %add3A_102 : vector<256x1xf32> to vector<256x1xi32>
    %swap3A_104 = arith.constant 256 : index
    %swap3A_105 = arith.constant 0 : index
    %swap3A_106 = vector.load %arg1[%swap3A_104, %swap3A_105] : memref<2048x1xi32, #tpu.memory_space<vmem>>, vector<256x1xi32>
    tpu.vector_store %arg1[%swap3A_104, %swap3A_105], %convert_element_type3A_103 {strides = array<i32>} : memref<2048x1xi32, #tpu.memory_space<vmem>>, vector<256x1xi32>,
    %reduce_sum3A_107 = arith.constant dense<0.000000e+00> : vector<64xf32>
    %reduce_sum3A_108 = vector.multi_reduction <add>, %slice3A_91, %reduce_sum3A_107 [0] : vector<256x64xf32> to vector<64xf32>
    %broadcast_in_dim3A_109 = vector.shape_cast %reduce_sum3A_108 : vector<64xf32> to vector<1x64xf32>
    %add3A_110 = arith.addf %add3A_90, %broadcast_in_dim3A_109 : vector<1x64xf32>
    %slice3A_111 = vector.extract_strided_slice %convert_element_type3A_38 {offsets = [512, 0], sizes = [256, 64], strides = [1, 1]} : vector<2048x64xf32> to vector<256x64xf32>
    %dot_general3A_112 = arith.constant dense<0.000000e+00> : vector<256x64xf32>
    %dot_general3A_113 = tpu.matmul %convert_element_type3A_69, %slice3A_111, %dot_general3A_112 {dimension_numbers = #tpu.dot_dimension_numbers<[1], [0], [0], [1], [0, 0, 1, 1], [], []>, transpose_lhs_hint = false} : vector<256x256xf32>, vector<256x64xf32>, vector<256x64xf32> -> vector<256x64xf32>
    %add3A_114 = vector.broadcast %add3A_110 : vector<1x64xf32> to vector<256x64xf32>
    %add3A_115 = arith.addf %dot_general3A_113, %add3A_114 : vector<256x64xf32>
    %mul3A_116 = arith.mulf %add3A_115, %slice3A_111 : vector<256x64xf32>
    %reduce_sum3A_117 = arith.constant dense<0.000000e+00> : vector<256xf32>
    %reduce_sum3A_118 = vector.multi_reduction <add>, %mul3A_116, %reduce_sum3A_117 [1] : vector<256x64xf32> to vector<256xf32>
    %broadcast_in_dim3A_119 = vector.shape_cast %reduce_sum3A_118 : vector<256xf32> to vector<256x1xf32>
    %dot_general3A_120 = arith.constant dense<0.000000e+00> : vector<256x1xf32>
    %dot_general3A_121 = tpu.matmul %slice3A_111, %dot_general3A_60, %dot_general3A_120 {dimension_numbers = #tpu.dot_dimension_numbers<[1], [1], [0], [0], [0, 0, 1, 0], [], []>, transpose_lhs_hint = false} : vector<256x64xf32>, vector<1x64xf32>, vector<256x1xf32> -> vector<256x1xf32>
    %add3A_122 = arith.addf %broadcast_in_dim3A_119, %dot_general3A_121 : vector<256x1xf32>
    %convert_element_type3A_123 = arith.fptosi %add3A_122 : vector<256x1xf32> to vector<256x1xi32>
    %swap3A_124 = arith.constant 512 : index
    %swap3A_125 = arith.constant 0 : index
    %swap3A_126 = vector.load %arg1[%swap3A_124, %swap3A_125] : memref<2048x1xi32, #tpu.memory_space<vmem>>, vector<256x1xi32>
    tpu.vector_store %arg1[%swap3A_124, %swap3A_125], %convert_element_type3A_123 {strides = array<i32>} : memref<2048x1xi32, #tpu.memory_space<vmem>>, vector<256x1xi32>,
    %reduce_sum3A_127 = arith.constant dense<0.000000e+00> : vector<64xf32>
    %reduce_sum3A_128 = vector.multi_reduction <add>, %slice3A_111, %reduce_sum3A_127 [0] : vector<256x64xf32> to vector<64xf32>
    %broadcast_in_dim3A_129 = vector.shape_cast %reduce_sum3A_128 : vector<64xf32> to vector<1x64xf32>
    %add3A_130 = arith.addf %add3A_110, %broadcast_in_dim3A_129 : vector<1x64xf32>
    %slice3A_131 = vector.extract_strided_slice %convert_element_type3A_38 {offsets = [768, 0], sizes = [256, 64], strides = [1, 1]} : vector<2048x64xf32> to vector<256x64xf32>
    %dot_general3A_132 = arith.constant dense<0.000000e+00> : vector<256x64xf32>
    %dot_general3A_133 = tpu.matmul %convert_element_type3A_69, %slice3A_131, %dot_general3A_132 {dimension_numbers = #tpu.dot_dimension_numbers<[1], [0], [0], [1], [0, 0, 1, 1], [], []>, transpose_lhs_hint = false} : vector<256x256xf32>, vector<256x64xf32>, vector<256x64xf32> -> vector<256x64xf32>
    %add3A_134 = vector.broadcast %add3A_130 : vector<1x64xf32> to vector<256x64xf32>
    %add3A_135 = arith.addf %dot_general3A_133, %add3A_134 : vector<256x64xf32>
    %mul3A_136 = arith.mulf %add3A_135, %slice3A_131 : vector<256x64xf32>
    %reduce_sum3A_137 = arith.constant dense<0.000000e+00> : vector<256xf32>
    %reduce_sum3A_138 = vector.multi_reduction <add>, %mul3A_136, %reduce_sum3A_137 [1] : vector<256x64xf32> to vector<256xf32>
    %broadcast_in_dim3A_139 = vector.shape_cast %reduce_sum3A_138 : vector<256xf32> to vector<256x1xf32>
    %dot_general3A_140 = arith.constant dense<0.000000e+00> : vector<256x1xf32>
    %dot_general3A_141 = tpu.matmul %slice3A_131, %dot_general3A_60, %dot_general3A_140 {dimension_numbers = #tpu.dot_dimension_numbers<[1], [1], [0], [0], [0, 0, 1, 0], [], []>, transpose_lhs_hint = false} : vector<256x64xf32>, vector<1x64xf32>, vector<256x1xf32> -> vector<256x1xf32>
    %add3A_142 = arith.addf %broadcast_in_dim3A_139, %dot_general3A_141 : vector<256x1xf32>
    %convert_element_type3A_143 = arith.fptosi %add3A_142 : vector<256x1xf32> to vector<256x1xi32>
    %swap3A_144 = arith.constant 768 : index
    %swap3A_145 = arith.constant 0 : index
    %swap3A_146 = vector.load %arg1[%swap3A_144, %swap3A_145] : memref<2048x1xi32, #tpu.memory_space<vmem>>, vector<256x1xi32>
    tpu.vector_store %arg1[%swap3A_144, %swap3A_145], %convert_element_type3A_143 {strides = array<i32>} : memref<2048x1xi32, #tpu.memory_space<vmem>>, vector<256x1xi32>,
    %reduce_sum3A_147 = arith.constant dense<0.000000e+00> : vector<64xf32>
    %reduce_sum3A_148 = vector.multi_reduction <add>, %slice3A_131, %reduce_sum3A_147 [0] : vector<256x64xf32> to vector<64xf32>
    %broadcast_in_dim3A_149 = vector.shape_cast %reduce_sum3A_148 : vector<64xf32> to vector<1x64xf32>
    %add3A_150 = arith.addf %add3A_130, %broadcast_in_dim3A_149 : vector<1x64xf32>
    %slice3A_151 = vector.extract_strided_slice %convert_element_type3A_38 {offsets = [1024, 0], sizes = [256, 64], strides = [1, 1]} : vector<2048x64xf32> to vector<256x64xf32>
    %dot_general3A_152 = arith.constant dense<0.000000e+00> : vector<256x64xf32>
    %dot_general3A_153 = tpu.matmul %convert_element_type3A_69, %slice3A_151, %dot_general3A_152 {dimension_numbers = #tpu.dot_dimension_numbers<[1], [0], [0], [1], [0, 0, 1, 1], [], []>, transpose_lhs_hint = false} : vector<256x256xf32>, vector<256x64xf32>, vector<256x64xf32> -> vector<256x64xf32>
    %add3A_154 = vector.broadcast %add3A_150 : vector<1x64xf32> to vector<256x64xf32>
    %add3A_155 = arith.addf %dot_general3A_153, %add3A_154 : vector<256x64xf32>
    %mul3A_156 = arith.mulf %add3A_155, %slice3A_151 : vector<256x64xf32>
    %reduce_sum3A_157 = arith.constant dense<0.000000e+00> : vector<256xf32>
    %reduce_sum3A_158 = vector.multi_reduction <add>, %mul3A_156, %reduce_sum3A_157 [1] : vector<256x64xf32> to vector<256xf32>
    %broadcast_in_dim3A_159 = vector.shape_cast %reduce_sum3A_158 : vector<256xf32> to vector<256x1xf32>
    %dot_general3A_160 = arith.constant dense<0.000000e+00> : vector<256x1xf32>
    %dot_general3A_161 = tpu.matmul %slice3A_151, %dot_general3A_60, %dot_general3A_160 {dimension_numbers = #tpu.dot_dimension_numbers<[1], [1], [0], [0], [0, 0, 1, 0], [], []>, transpose_lhs_hint = false} : vector<256x64xf32>, vector<1x64xf32>, vector<256x1xf32> -> vector<256x1xf32>
    %add3A_162 = arith.addf %broadcast_in_dim3A_159, %dot_general3A_161 : vector<256x1xf32>
    %convert_element_type3A_163 = arith.fptosi %add3A_162 : vector<256x1xf32> to vector<256x1xi32>
    %swap3A_164 = arith.constant 1024 : index
    %swap3A_165 = arith.constant 0 : index
    %swap3A_166 = vector.load %arg1[%swap3A_164, %swap3A_165] : memref<2048x1xi32, #tpu.memory_space<vmem>>, vector<256x1xi32>
    tpu.vector_store %arg1[%swap3A_164, %swap3A_165], %convert_element_type3A_163 {strides = array<i32>} : memref<2048x1xi32, #tpu.memory_space<vmem>>, vector<256x1xi32>,
    %reduce_sum3A_167 = arith.constant dense<0.000000e+00> : vector<64xf32>
    %reduce_sum3A_168 = vector.multi_reduction <add>, %slice3A_151, %reduce_sum3A_167 [0] : vector<256x64xf32> to vector<64xf32>
    %broadcast_in_dim3A_169 = vector.shape_cast %reduce_sum3A_168 : vector<64xf32> to vector<1x64xf32>
    %add3A_170 = arith.addf %add3A_150, %broadcast_in_dim3A_169 : vector<1x64xf32>
    %slice3A_171 = vector.extract_strided_slice %convert_element_type3A_38 {offsets = [1280, 0], sizes = [256, 64], strides = [1, 1]} : vector<2048x64xf32> to vector<256x64xf32>
    %dot_general3A_172 = arith.constant dense<0.000000e+00> : vector<256x64xf32>
    %dot_general3A_173 = tpu.matmul %convert_element_type3A_69, %slice3A_171, %dot_general3A_172 {dimension_numbers = #tpu.dot_dimension_numbers<[1], [0], [0], [1], [0, 0, 1, 1], [], []>, transpose_lhs_hint = false} : vector<256x256xf32>, vector<256x64xf32>, vector<256x64xf32> -> vector<256x64xf32>
    %add3A_174 = vector.broadcast %add3A_170 : vector<1x64xf32> to vector<256x64xf32>
    %add3A_175 = arith.addf %dot_general3A_173, %add3A_174 : vector<256x64xf32>
    %mul3A_176 = arith.mulf %add3A_175, %slice3A_171 : vector<256x64xf32>
    %reduce_sum3A_177 = arith.constant dense<0.000000e+00> : vector<256xf32>
    %reduce_sum3A_178 = vector.multi_reduction <add>, %mul3A_176, %reduce_sum3A_177 [1] : vector<256x64xf32> to vector<256xf32>
    %broadcast_in_dim3A_179 = vector.shape_cast %reduce_sum3A_178 : vector<256xf32> to vector<256x1xf32>
    %dot_general3A_180 = arith.constant dense<0.000000e+00> : vector<256x1xf32>
    %dot_general3A_181 = tpu.matmul %slice3A_171, %dot_general3A_60, %dot_general3A_180 {dimension_numbers = #tpu.dot_dimension_numbers<[1], [1], [0], [0], [0, 0, 1, 0], [], []>, transpose_lhs_hint = false} : vector<256x64xf32>, vector<1x64xf32>, vector<256x1xf32> -> vector<256x1xf32>
    %add3A_182 = arith.addf %broadcast_in_dim3A_179, %dot_general3A_181 : vector<256x1xf32>
    %convert_element_type3A_183 = arith.fptosi %add3A_182 : vector<256x1xf32> to vector<256x1xi32>
    %swap3A_184 = arith.constant 1280 : index
    %swap3A_185 = arith.constant 0 : index
    %swap3A_186 = vector.load %arg1[%swap3A_184, %swap3A_185] : memref<2048x1xi32, #tpu.memory_space<vmem>>, vector<256x1xi32>
    tpu.vector_store %arg1[%swap3A_184, %swap3A_185], %convert_element_type3A_183 {strides = array<i32>} : memref<2048x1xi32, #tpu.memory_space<vmem>>, vector<256x1xi32>,
    %reduce_sum3A_187 = arith.constant dense<0.000000e+00> : vector<64xf32>
    %reduce_sum3A_188 = vector.multi_reduction <add>, %slice3A_171, %reduce_sum3A_187 [0] : vector<256x64xf32> to vector<64xf32>
    %broadcast_in_dim3A_189 = vector.shape_cast %reduce_sum3A_188 : vector<64xf32> to vector<1x64xf32>
    %add3A_190 = arith.addf %add3A_170, %broadcast_in_dim3A_189 : vector<1x64xf32>
    %slice3A_191 = vector.extract_strided_slice %convert_element_type3A_38 {offsets = [1536, 0], sizes = [256, 64], strides = [1, 1]} : vector<2048x64xf32> to vector<256x64xf32>
    %dot_general3A_192 = arith.constant dense<0.000000e+00> : vector<256x64xf32>
    %dot_general3A_193 = tpu.matmul %convert_element_type3A_69, %slice3A_191, %dot_general3A_192 {dimension_numbers = #tpu.dot_dimension_numbers<[1], [0], [0], [1], [0, 0, 1, 1], [], []>, transpose_lhs_hint = false} : vector<256x256xf32>, vector<256x64xf32>, vector<256x64xf32> -> vector<256x64xf32>
    %add3A_194 = vector.broadcast %add3A_190 : vector<1x64xf32> to vector<256x64xf32>
    %add3A_195 = arith.addf %dot_general3A_193, %add3A_194 : vector<256x64xf32>
    %mul3A_196 = arith.mulf %add3A_195, %slice3A_191 : vector<256x64xf32>
    %reduce_sum3A_197 = arith.constant dense<0.000000e+00> : vector<256xf32>
    %reduce_sum3A_198 = vector.multi_reduction <add>, %mul3A_196, %reduce_sum3A_197 [1] : vector<256x64xf32> to vector<256xf32>
    %broadcast_in_dim3A_199 = vector.shape_cast %reduce_sum3A_198 : vector<256xf32> to vector<256x1xf32>
    %dot_general3A_200 = arith.constant dense<0.000000e+00> : vector<256x1xf32>
    %dot_general3A_201 = tpu.matmul %slice3A_191, %dot_general3A_60, %dot_general3A_200 {dimension_numbers = #tpu.dot_dimension_numbers<[1], [1], [0], [0], [0, 0, 1, 0], [], []>, transpose_lhs_hint = false} : vector<256x64xf32>, vector<1x64xf32>, vector<256x1xf32> -> vector<256x1xf32>
    %add3A_202 = arith.addf %broadcast_in_dim3A_199, %dot_general3A_201 : vector<256x1xf32>
    %convert_element_type3A_203 = arith.fptosi %add3A_202 : vector<256x1xf32> to vector<256x1xi32>
    %swap3A_204 = arith.constant 1536 : index
    %swap3A_205 = arith.constant 0 : index
    %swap3A_206 = vector.load %arg1[%swap3A_204, %swap3A_205] : memref<2048x1xi32, #tpu.memory_space<vmem>>, vector<256x1xi32>
    tpu.vector_store %arg1[%swap3A_204, %swap3A_205], %convert_element_type3A_203 {strides = array<i32>} : memref<2048x1xi32, #tpu.memory_space<vmem>>, vector<256x1xi32>,
    %reduce_sum3A_207 = arith.constant dense<0.000000e+00> : vector<64xf32>
    %reduce_sum3A_208 = vector.multi_reduction <add>, %slice3A_191, %reduce_sum3A_207 [0] : vector<256x64xf32> to vector<64xf32>
    %broadcast_in_dim3A_209 = vector.shape_cast %reduce_sum3A_208 : vector<64xf32> to vector<1x64xf32>
    %add3A_210 = arith.addf %add3A_190, %broadcast_in_dim3A_209 : vector<1x64xf32>
    %slice3A_211 = vector.extract_strided_slice %convert_element_type3A_38 {offsets = [1792, 0], sizes = [256, 64], strides = [1, 1]} : vector<2048x64xf32> to vector<256x64xf32>
    %dot_general3A_212 = arith.constant dense<0.000000e+00> : vector<256x64xf32>
    %dot_general3A_213 = tpu.matmul %convert_element_type3A_69, %slice3A_211, %dot_general3A_212 {dimension_numbers = #tpu.dot_dimension_numbers<[1], [0], [0], [1], [0, 0, 1, 1], [], []>, transpose_lhs_hint = false} : vector<256x256xf32>, vector<256x64xf32>, vector<256x64xf32> -> vector<256x64xf32>
    %add3A_214 = vector.broadcast %add3A_210 : vector<1x64xf32> to vector<256x64xf32>
    %add3A_215 = arith.addf %dot_general3A_213, %add3A_214 : vector<256x64xf32>
    %mul3A_216 = arith.mulf %add3A_215, %slice3A_211 : vector<256x64xf32>
    %reduce_sum3A_217 = arith.constant dense<0.000000e+00> : vector<256xf32>
    %reduce_sum3A_218 = vector.multi_reduction <add>, %mul3A_216, %reduce_sum3A_217 [1] : vector<256x64xf32> to vector<256xf32>
    %broadcast_in_dim3A_219 = vector.shape_cast %reduce_sum3A_218 : vector<256xf32> to vector<256x1xf32>
    %dot_general3A_220 = arith.constant dense<0.000000e+00> : vector<256x1xf32>
    %dot_general3A_221 = tpu.matmul %slice3A_211, %dot_general3A_60, %dot_general3A_220 {dimension_numbers = #tpu.dot_dimension_numbers<[1], [1], [0], [0], [0, 0, 1, 0], [], []>, transpose_lhs_hint = false} : vector<256x64xf32>, vector<1x64xf32>, vector<256x1xf32> -> vector<256x1xf32>
    %add3A_222 = arith.addf %broadcast_in_dim3A_219, %dot_general3A_221 : vector<256x1xf32>
    %convert_element_type3A_223 = arith.fptosi %add3A_222 : vector<256x1xf32> to vector<256x1xi32>
    %swap3A_224 = arith.constant 1792 : index
    %swap3A_225 = arith.constant 0 : index
    %swap3A_226 = vector.load %arg1[%swap3A_224, %swap3A_225] : memref<2048x1xi32, #tpu.memory_space<vmem>>, vector<256x1xi32>
    tpu.vector_store %arg1[%swap3A_224, %swap3A_225], %convert_element_type3A_223 {strides = array<i32>} : memref<2048x1xi32, #tpu.memory_space<vmem>>, vector<256x1xi32>,
    %reduce_sum3A_227 = arith.constant dense<0.000000e+00> : vector<64xf32>
    %reduce_sum3A_228 = vector.multi_reduction <add>, %slice3A_211, %reduce_sum3A_227 [0] : vector<256x64xf32> to vector<64xf32>
    %broadcast_in_dim3A_229 = vector.shape_cast %reduce_sum3A_228 : vector<64xf32> to vector<1x64xf32>
    %add3A_230 = arith.addf %add3A_210, %broadcast_in_dim3A_229 : vector<1x64xf32>
    %slice3A_231 = vector.extract_strided_slice %convert_element_type3A_42 {offsets = [0, 0], sizes = [256, 64], strides = [1, 1]} : vector<2048x64xf32> to vector<256x64xf32>
    %dot_general3A_232 = arith.constant dense<0.000000e+00> : vector<256x64xf32>
    %dot_general3A_233 = tpu.matmul %convert_element_type3A_69, %slice3A_231, %dot_general3A_232 {dimension_numbers = #tpu.dot_dimension_numbers<[1], [0], [0], [1], [0, 0, 1, 1], [], []>, transpose_lhs_hint = false} : vector<256x256xf32>, vector<256x64xf32>, vector<256x64xf32> -> vector<256x64xf32>
    %add3A_234 = vector.broadcast %add3A_230 : vector<1x64xf32> to vector<256x64xf32>
    %add3A_235 = arith.addf %dot_general3A_233, %add3A_234 : vector<256x64xf32>
    %mul3A_236 = arith.mulf %add3A_235, %slice3A_231 : vector<256x64xf32>
    %reduce_sum3A_237 = arith.constant dense<0.000000e+00> : vector<256xf32>
    %reduce_sum3A_238 = vector.multi_reduction <add>, %mul3A_236, %reduce_sum3A_237 [1] : vector<256x64xf32> to vector<256xf32>
    %broadcast_in_dim3A_239 = vector.shape_cast %reduce_sum3A_238 : vector<256xf32> to vector<256x1xf32>
    %dot_general3A_240 = arith.constant dense<0.000000e+00> : vector<256x1xf32>
    %dot_general3A_241 = tpu.matmul %slice3A_231, %dot_general3A_60, %dot_general3A_240 {dimension_numbers = #tpu.dot_dimension_numbers<[1], [1], [0], [0], [0, 0, 1, 0], [], []>, transpose_lhs_hint = false} : vector<256x64xf32>, vector<1x64xf32>, vector<256x1xf32> -> vector<256x1xf32>
    %add3A_242 = arith.addf %broadcast_in_dim3A_239, %dot_general3A_241 : vector<256x1xf32>
    %convert_element_type3A_243 = arith.fptosi %add3A_242 : vector<256x1xf32> to vector<256x1xi32>
    %swap3A_244 = arith.constant 0 : index
    %swap3A_245 = arith.constant 0 : index
    %swap3A_246 = vector.load %arg2[%swap3A_244, %swap3A_245] : memref<2048x1xi32, #tpu.memory_space<vmem>>, vector<256x1xi32>
    tpu.vector_store %arg2[%swap3A_244, %swap3A_245], %convert_element_type3A_243 {strides = array<i32>} : memref<2048x1xi32, #tpu.memory_space<vmem>>, vector<256x1xi32>,
    %reduce_sum3A_247 = arith.constant dense<0.000000e+00> : vector<64xf32>
    %reduce_sum3A_248 = vector.multi_reduction <add>, %slice3A_231, %reduce_sum3A_247 [0] : vector<256x64xf32> to vector<64xf32>
    %broadcast_in_dim3A_249 = vector.shape_cast %reduce_sum3A_248 : vector<64xf32> to vector<1x64xf32>
    %add3A_250 = arith.addf %add3A_230, %broadcast_in_dim3A_249 : vector<1x64xf32>
    %slice3A_251 = vector.extract_strided_slice %convert_element_type3A_42 {offsets = [256, 0], sizes = [256, 64], strides = [1, 1]} : vector<2048x64xf32> to vector<256x64xf32>
    %dot_general3A_252 = arith.constant dense<0.000000e+00> : vector<256x64xf32>
    %dot_general3A_253 = tpu.matmul %convert_element_type3A_69, %slice3A_251, %dot_general3A_252 {dimension_numbers = #tpu.dot_dimension_numbers<[1], [0], [0], [1], [0, 0, 1, 1], [], []>, transpose_lhs_hint = false} : vector<256x256xf32>, vector<256x64xf32>, vector<256x64xf32> -> vector<256x64xf32>
    %add3A_254 = vector.broadcast %add3A_250 : vector<1x64xf32> to vector<256x64xf32>
    %add3A_255 = arith.addf %dot_general3A_253, %add3A_254 : vector<256x64xf32>
    %mul3A_256 = arith.mulf %add3A_255, %slice3A_251 : vector<256x64xf32>
    %reduce_sum3A_257 = arith.constant dense<0.000000e+00> : vector<256xf32>
    %reduce_sum3A_258 = vector.multi_reduction <add>, %mul3A_256, %reduce_sum3A_257 [1] : vector<256x64xf32> to vector<256xf32>
    %broadcast_in_dim3A_259 = vector.shape_cast %reduce_sum3A_258 : vector<256xf32> to vector<256x1xf32>
    %dot_general3A_260 = arith.constant dense<0.000000e+00> : vector<256x1xf32>
    %dot_general3A_261 = tpu.matmul %slice3A_251, %dot_general3A_60, %dot_general3A_260 {dimension_numbers = #tpu.dot_dimension_numbers<[1], [1], [0], [0], [0, 0, 1, 0], [], []>, transpose_lhs_hint = false} : vector<256x64xf32>, vector<1x64xf32>, vector<256x1xf32> -> vector<256x1xf32>
    %add3A_262 = arith.addf %broadcast_in_dim3A_259, %dot_general3A_261 : vector<256x1xf32>
    %convert_element_type3A_263 = arith.fptosi %add3A_262 : vector<256x1xf32> to vector<256x1xi32>
    %swap3A_264 = arith.constant 256 : index
    %swap3A_265 = arith.constant 0 : index
    %swap3A_266 = vector.load %arg2[%swap3A_264, %swap3A_265] : memref<2048x1xi32, #tpu.memory_space<vmem>>, vector<256x1xi32>
    tpu.vector_store %arg2[%swap3A_264, %swap3A_265], %convert_element_type3A_263 {strides = array<i32>} : memref<2048x1xi32, #tpu.memory_space<vmem>>, vector<256x1xi32>,
    %reduce_sum3A_267 = arith.constant dense<0.000000e+00> : vector<64xf32>
    %reduce_sum3A_268 = vector.multi_reduction <add>, %slice3A_251, %reduce_sum3A_267 [0] : vector<256x64xf32> to vector<64xf32>
    %broadcast_in_dim3A_269 = vector.shape_cast %reduce_sum3A_268 : vector<64xf32> to vector<1x64xf32>
    %add3A_270 = arith.addf %add3A_250, %broadcast_in_dim3A_269 : vector<1x64xf32>
    %slice3A_271 = vector.extract_strided_slice %convert_element_type3A_42 {offsets = [512, 0], sizes = [256, 64], strides = [1, 1]} : vector<2048x64xf32> to vector<256x64xf32>
    %dot_general3A_272 = arith.constant dense<0.000000e+00> : vector<256x64xf32>
    %dot_general3A_273 = tpu.matmul %convert_element_type3A_69, %slice3A_271, %dot_general3A_272 {dimension_numbers = #tpu.dot_dimension_numbers<[1], [0], [0], [1], [0, 0, 1, 1], [], []>, transpose_lhs_hint = false} : vector<256x256xf32>, vector<256x64xf32>, vector<256x64xf32> -> vector<256x64xf32>
    %add3A_274 = vector.broadcast %add3A_270 : vector<1x64xf32> to vector<256x64xf32>
    %add3A_275 = arith.addf %dot_general3A_273, %add3A_274 : vector<256x64xf32>
    %mul3A_276 = arith.mulf %add3A_275, %slice3A_271 : vector<256x64xf32>
    %reduce_sum3A_277 = arith.constant dense<0.000000e+00> : vector<256xf32>
    %reduce_sum3A_278 = vector.multi_reduction <add>, %mul3A_276, %reduce_sum3A_277 [1] : vector<256x64xf32> to vector<256xf32>
    %broadcast_in_dim3A_279 = vector.shape_cast %reduce_sum3A_278 : vector<256xf32> to vector<256x1xf32>
    %dot_general3A_280 = arith.constant dense<0.000000e+00> : vector<256x1xf32>
    %dot_general3A_281 = tpu.matmul %slice3A_271, %dot_general3A_60, %dot_general3A_280 {dimension_numbers = #tpu.dot_dimension_numbers<[1], [1], [0], [0], [0, 0, 1, 0], [], []>, transpose_lhs_hint = false} : vector<256x64xf32>, vector<1x64xf32>, vector<256x1xf32> -> vector<256x1xf32>
    %add3A_282 = arith.addf %broadcast_in_dim3A_279, %dot_general3A_281 : vector<256x1xf32>
    %convert_element_type3A_283 = arith.fptosi %add3A_282 : vector<256x1xf32> to vector<256x1xi32>
    %swap3A_284 = arith.constant 512 : index
    %swap3A_285 = arith.constant 0 : index
    %swap3A_286 = vector.load %arg2[%swap3A_284, %swap3A_285] : memref<2048x1xi32, #tpu.memory_space<vmem>>, vector<256x1xi32>
    tpu.vector_store %arg2[%swap3A_284, %swap3A_285], %convert_element_type3A_283 {strides = array<i32>} : memref<2048x1xi32, #tpu.memory_space<vmem>>, vector<256x1xi32>,
    %reduce_sum3A_287 = arith.constant dense<0.000000e+00> : vector<64xf32>
    %reduce_sum3A_288 = vector.multi_reduction <add>, %slice3A_271, %reduce_sum3A_287 [0] : vector<256x64xf32> to vector<64xf32>
    %broadcast_in_dim3A_289 = vector.shape_cast %reduce_sum3A_288 : vector<64xf32> to vector<1x64xf32>
    %add3A_290 = arith.addf %add3A_270, %broadcast_in_dim3A_289 : vector<1x64xf32>
    %slice3A_291 = vector.extract_strided_slice %convert_element_type3A_42 {offsets = [768, 0], sizes = [256, 64], strides = [1, 1]} : vector<2048x64xf32> to vector<256x64xf32>
    %dot_general3A_292 = arith.constant dense<0.000000e+00> : vector<256x64xf32>
    %dot_general3A_293 = tpu.matmul %convert_element_type3A_69, %slice3A_291, %dot_general3A_292 {dimension_numbers = #tpu.dot_dimension_numbers<[1], [0], [0], [1], [0, 0, 1, 1], [], []>, transpose_lhs_hint = false} : vector<256x256xf32>, vector<256x64xf32>, vector<256x64xf32> -> vector<256x64xf32>
    %add3A_294 = vector.broadcast %add3A_290 : vector<1x64xf32> to vector<256x64xf32>
    %add3A_295 = arith.addf %dot_general3A_293, %add3A_294 : vector<256x64xf32>
    %mul3A_296 = arith.mulf %add3A_295, %slice3A_291 : vector<256x64xf32>
    %reduce_sum3A_297 = arith.constant dense<0.000000e+00> : vector<256xf32>
    %reduce_sum3A_298 = vector.multi_reduction <add>, %mul3A_296, %reduce_sum3A_297 [1] : vector<256x64xf32> to vector<256xf32>
    %broadcast_in_dim3A_299 = vector.shape_cast %reduce_sum3A_298 : vector<256xf32> to vector<256x1xf32>
    %dot_general3A_300 = arith.constant dense<0.000000e+00> : vector<256x1xf32>
    %dot_general3A_301 = tpu.matmul %slice3A_291, %dot_general3A_60, %dot_general3A_300 {dimension_numbers = #tpu.dot_dimension_numbers<[1], [1], [0], [0], [0, 0, 1, 0], [], []>, transpose_lhs_hint = false} : vector<256x64xf32>, vector<1x64xf32>, vector<256x1xf32> -> vector<256x1xf32>
    %add3A_302 = arith.addf %broadcast_in_dim3A_299, %dot_general3A_301 : vector<256x1xf32>
    %convert_element_type3A_303 = arith.fptosi %add3A_302 : vector<256x1xf32> to vector<256x1xi32>
    %swap3A_304 = arith.constant 768 : index
    %swap3A_305 = arith.constant 0 : index
    %swap3A_306 = vector.load %arg2[%swap3A_304, %swap3A_305] : memref<2048x1xi32, #tpu.memory_space<vmem>>, vector<256x1xi32>
    tpu.vector_store %arg2[%swap3A_304, %swap3A_305], %convert_element_type3A_303 {strides = array<i32>} : memref<2048x1xi32, #tpu.memory_space<vmem>>, vector<256x1xi32>,
    %reduce_sum3A_307 = arith.constant dense<0.000000e+00> : vector<64xf32>
    %reduce_sum3A_308 = vector.multi_reduction <add>, %slice3A_291, %reduce_sum3A_307 [0] : vector<256x64xf32> to vector<64xf32>
    %broadcast_in_dim3A_309 = vector.shape_cast %reduce_sum3A_308 : vector<64xf32> to vector<1x64xf32>
    %add3A_310 = arith.addf %add3A_290, %broadcast_in_dim3A_309 : vector<1x64xf32>
    %slice3A_311 = vector.extract_strided_slice %convert_element_type3A_42 {offsets = [1024, 0], sizes = [256, 64], strides = [1, 1]} : vector<2048x64xf32> to vector<256x64xf32>
    %dot_general3A_312 = arith.constant dense<0.000000e+00> : vector<256x64xf32>
    %dot_general3A_313 = tpu.matmul %convert_element_type3A_69, %slice3A_311, %dot_general3A_312 {dimension_numbers = #tpu.dot_dimension_numbers<[1], [0], [0], [1], [0, 0, 1, 1], [], []>, transpose_lhs_hint = false} : vector<256x256xf32>, vector<256x64xf32>, vector<256x64xf32> -> vector<256x64xf32>
    %add3A_314 = vector.broadcast %add3A_310 : vector<1x64xf32> to vector<256x64xf32>
    %add3A_315 = arith.addf %dot_general3A_313, %add3A_314 : vector<256x64xf32>
    %mul3A_316 = arith.mulf %add3A_315, %slice3A_311 : vector<256x64xf32>
    %reduce_sum3A_317 = arith.constant dense<0.000000e+00> : vector<256xf32>
    %reduce_sum3A_318 = vector.multi_reduction <add>, %mul3A_316, %reduce_sum3A_317 [1] : vector<256x64xf32> to vector<256xf32>
    %broadcast_in_dim3A_319 = vector.shape_cast %reduce_sum3A_318 : vector<256xf32> to vector<256x1xf32>
    %dot_general3A_320 = arith.constant dense<0.000000e+00> : vector<256x1xf32>
    %dot_general3A_321 = tpu.matmul %slice3A_311, %dot_general3A_60, %dot_general3A_320 {dimension_numbers = #tpu.dot_dimension_numbers<[1], [1], [0], [0], [0, 0, 1, 0], [], []>, transpose_lhs_hint = false} : vector<256x64xf32>, vector<1x64xf32>, vector<256x1xf32> -> vector<256x1xf32>
    %add3A_322 = arith.addf %broadcast_in_dim3A_319, %dot_general3A_321 : vector<256x1xf32>
    %convert_element_type3A_323 = arith.fptosi %add3A_322 : vector<256x1xf32> to vector<256x1xi32>
    %swap3A_324 = arith.constant 1024 : index
    %swap3A_325 = arith.constant 0 : index
    %swap3A_326 = vector.load %arg2[%swap3A_324, %swap3A_325] : memref<2048x1xi32, #tpu.memory_space<vmem>>, vector<256x1xi32>
    tpu.vector_store %arg2[%swap3A_324, %swap3A_325], %convert_element_type3A_323 {strides = array<i32>} : memref<2048x1xi32, #tpu.memory_space<vmem>>, vector<256x1xi32>,
    %reduce_sum3A_327 = arith.constant dense<0.000000e+00> : vector<64xf32>
    %reduce_sum3A_328 = vector.multi_reduction <add>, %slice3A_311, %reduce_sum3A_327 [0] : vector<256x64xf32> to vector<64xf32>
    %broadcast_in_dim3A_329 = vector.shape_cast %reduce_sum3A_328 : vector<64xf32> to vector<1x64xf32>
    %add3A_330 = arith.addf %add3A_310, %broadcast_in_dim3A_329 : vector<1x64xf32>
    %slice3A_331 = vector.extract_strided_slice %convert_element_type3A_42 {offsets = [1280, 0], sizes = [256, 64], strides = [1, 1]} : vector<2048x64xf32> to vector<256x64xf32>
    %dot_general3A_332 = arith.constant dense<0.000000e+00> : vector<256x64xf32>
    %dot_general3A_333 = tpu.matmul %convert_element_type3A_69, %slice3A_331, %dot_general3A_332 {dimension_numbers = #tpu.dot_dimension_numbers<[1], [0], [0], [1], [0, 0, 1, 1], [], []>, transpose_lhs_hint = false} : vector<256x256xf32>, vector<256x64xf32>, vector<256x64xf32> -> vector<256x64xf32>
    %add3A_334 = vector.broadcast %add3A_330 : vector<1x64xf32> to vector<256x64xf32>
    %add3A_335 = arith.addf %dot_general3A_333, %add3A_334 : vector<256x64xf32>
    %mul3A_336 = arith.mulf %add3A_335, %slice3A_331 : vector<256x64xf32>
    %reduce_sum3A_337 = arith.constant dense<0.000000e+00> : vector<256xf32>
    %reduce_sum3A_338 = vector.multi_reduction <add>, %mul3A_336, %reduce_sum3A_337 [1] : vector<256x64xf32> to vector<256xf32>
    %broadcast_in_dim3A_339 = vector.shape_cast %reduce_sum3A_338 : vector<256xf32> to vector<256x1xf32>
    %dot_general3A_340 = arith.constant dense<0.000000e+00> : vector<256x1xf32>
    %dot_general3A_341 = tpu.matmul %slice3A_331, %dot_general3A_60, %dot_general3A_340 {dimension_numbers = #tpu.dot_dimension_numbers<[1], [1], [0], [0], [0, 0, 1, 0], [], []>, transpose_lhs_hint = false} : vector<256x64xf32>, vector<1x64xf32>, vector<256x1xf32> -> vector<256x1xf32>
    %add3A_342 = arith.addf %broadcast_in_dim3A_339, %dot_general3A_341 : vector<256x1xf32>
    %convert_element_type3A_343 = arith.fptosi %add3A_342 : vector<256x1xf32> to vector<256x1xi32>
    %swap3A_344 = arith.constant 1280 : index
    %swap3A_345 = arith.constant 0 : index
    %swap3A_346 = vector.load %arg2[%swap3A_344, %swap3A_345] : memref<2048x1xi32, #tpu.memory_space<vmem>>, vector<256x1xi32>
    tpu.vector_store %arg2[%swap3A_344, %swap3A_345], %convert_element_type3A_343 {strides = array<i32>} : memref<2048x1xi32, #tpu.memory_space<vmem>>, vector<256x1xi32>,
    %reduce_sum3A_347 = arith.constant dense<0.000000e+00> : vector<64xf32>
    %reduce_sum3A_348 = vector.multi_reduction <add>, %slice3A_331, %reduce_sum3A_347 [0] : vector<256x64xf32> to vector<64xf32>
    %broadcast_in_dim3A_349 = vector.shape_cast %reduce_sum3A_348 : vector<64xf32> to vector<1x64xf32>
    %add3A_350 = arith.addf %add3A_330, %broadcast_in_dim3A_349 : vector<1x64xf32>
    %slice3A_351 = vector.extract_strided_slice %convert_element_type3A_42 {offsets = [1536, 0], sizes = [256, 64], strides = [1, 1]} : vector<2048x64xf32> to vector<256x64xf32>
    %dot_general3A_352 = arith.constant dense<0.000000e+00> : vector<256x64xf32>
    %dot_general3A_353 = tpu.matmul %convert_element_type3A_69, %slice3A_351, %dot_general3A_352 {dimension_numbers = #tpu.dot_dimension_numbers<[1], [0], [0], [1], [0, 0, 1, 1], [], []>, transpose_lhs_hint = false} : vector<256x256xf32>, vector<256x64xf32>, vector<256x64xf32> -> vector<256x64xf32>
    %add3A_354 = vector.broadcast %add3A_350 : vector<1x64xf32> to vector<256x64xf32>
    %add3A_355 = arith.addf %dot_general3A_353, %add3A_354 : vector<256x64xf32>
    %mul3A_356 = arith.mulf %add3A_355, %slice3A_351 : vector<256x64xf32>
    %reduce_sum3A_357 = arith.constant dense<0.000000e+00> : vector<256xf32>
    %reduce_sum3A_358 = vector.multi_reduction <add>, %mul3A_356, %reduce_sum3A_357 [1] : vector<256x64xf32> to vector<256xf32>
    %broadcast_in_dim3A_359 = vector.shape_cast %reduce_sum3A_358 : vector<256xf32> to vector<256x1xf32>
    %dot_general3A_360 = arith.constant dense<0.000000e+00> : vector<256x1xf32>
    %dot_general3A_361 = tpu.matmul %slice3A_351, %dot_general3A_60, %dot_general3A_360 {dimension_numbers = #tpu.dot_dimension_numbers<[1], [1], [0], [0], [0, 0, 1, 0], [], []>, transpose_lhs_hint = false} : vector<256x64xf32>, vector<1x64xf32>, vector<256x1xf32> -> vector<256x1xf32>
    %add3A_362 = arith.addf %broadcast_in_dim3A_359, %dot_general3A_361 : vector<256x1xf32>
    %convert_element_type3A_363 = arith.fptosi %add3A_362 : vector<256x1xf32> to vector<256x1xi32>
    %swap3A_364 = arith.constant 1536 : index
    %swap3A_365 = arith.constant 0 : index
    %swap3A_366 = vector.load %arg2[%swap3A_364, %swap3A_365] : memref<2048x1xi32, #tpu.memory_space<vmem>>, vector<256x1xi32>
    tpu.vector_store %arg2[%swap3A_364, %swap3A_365], %convert_element_type3A_363 {strides = array<i32>} : memref<2048x1xi32, #tpu.memory_space<vmem>>, vector<256x1xi32>,
    %reduce_sum3A_367 = arith.constant dense<0.000000e+00> : vector<64xf32>
    %reduce_sum3A_368 = vector.multi_reduction <add>, %slice3A_351, %reduce_sum3A_367 [0] : vector<256x64xf32> to vector<64xf32>
    %broadcast_in_dim3A_369 = vector.shape_cast %reduce_sum3A_368 : vector<64xf32> to vector<1x64xf32>
    %add3A_370 = arith.addf %add3A_350, %broadcast_in_dim3A_369 : vector<1x64xf32>
    %slice3A_371 = vector.extract_strided_slice %convert_element_type3A_42 {offsets = [1792, 0], sizes = [256, 64], strides = [1, 1]} : vector<2048x64xf32> to vector<256x64xf32>
    %dot_general3A_372 = arith.constant dense<0.000000e+00> : vector<256x64xf32>
    %dot_general3A_373 = tpu.matmul %convert_element_type3A_69, %slice3A_371, %dot_general3A_372 {dimension_numbers = #tpu.dot_dimension_numbers<[1], [0], [0], [1], [0, 0, 1, 1], [], []>, transpose_lhs_hint = false} : vector<256x256xf32>, vector<256x64xf32>, vector<256x64xf32> -> vector<256x64xf32>
    %add3A_374 = vector.broadcast %add3A_370 : vector<1x64xf32> to vector<256x64xf32>
    %add3A_375 = arith.addf %dot_general3A_373, %add3A_374 : vector<256x64xf32>
    %mul3A_376 = arith.mulf %add3A_375, %slice3A_371 : vector<256x64xf32>
    %reduce_sum3A_377 = arith.constant dense<0.000000e+00> : vector<256xf32>
    %reduce_sum3A_378 = vector.multi_reduction <add>, %mul3A_376, %reduce_sum3A_377 [1] : vector<256x64xf32> to vector<256xf32>
    %broadcast_in_dim3A_379 = vector.shape_cast %reduce_sum3A_378 : vector<256xf32> to vector<256x1xf32>
    %dot_general3A_380 = arith.constant dense<0.000000e+00> : vector<256x1xf32>
    %dot_general3A_381 = tpu.matmul %slice3A_371, %dot_general3A_60, %dot_general3A_380 {dimension_numbers = #tpu.dot_dimension_numbers<[1], [1], [0], [0], [0, 0, 1, 0], [], []>, transpose_lhs_hint = false} : vector<256x64xf32>, vector<1x64xf32>, vector<256x1xf32> -> vector<256x1xf32>
    %add3A_382 = arith.addf %broadcast_in_dim3A_379, %dot_general3A_381 : vector<256x1xf32>
    %convert_element_type3A_383 = arith.fptosi %add3A_382 : vector<256x1xf32> to vector<256x1xi32>
    %swap3A_384 = arith.constant 1792 : index
    %swap3A_385 = arith.constant 0 : index
    %swap3A_386 = vector.load %arg2[%swap3A_384, %swap3A_385] : memref<2048x1xi32, #tpu.memory_space<vmem>>, vector<256x1xi32>
    tpu.vector_store %arg2[%swap3A_384, %swap3A_385], %convert_element_type3A_383 {strides = array<i32>} : memref<2048x1xi32, #tpu.memory_space<vmem>>, vector<256x1xi32>,
    return
  }
}

</mosaic_0001>

<sc_bundles>
// kernel: kernel.10.cloned.1.call-start
scs
__scs_entry_jumppad:
0x0: {  	(pc) =	sbr.rel $0x88, $3  }
0x1: {  	(tag) =	ssettag $0x0;
	lr =	simm.s32 $0x1  }
0x2: {  	[smem:$0x3F9D] =	sst lr;
	_ =	strace $0xD0000000  }
0x3: {  	_ = 	snop  }
0x4: {  	_ = 	snop  }
0x5: {  	_ = 	snop  }
0x6: {  	_ = 	snop  }
0x7: {  	_ = 	snop  }
__scs_overlays_trampoline_lowered:
0x8: {  	[smem:$0x3FAC] =	sst s0  }
0x9: {  	[smem:$0x3FAD] =	sst s1  }
0xa: {  	[smem:$0x3FAE] =	sst s2  }
0xb: {  	[smem:$0x3FAF] =	sst s3  }
0xc: {  	[smem:$0x3FB0] =	sst s4  }
0xd: {  	[smem:$0x3FB1] =	sst s5  }
0xe: {  	[smem:$0x3FB2] =	sst s6  }
0xf: {  	[smem:$0x3FB3] =	sst s7  }
0x10: {  	[smem:$0x3FB4] =	sst s8  }
0x11: {  	[smem:$0x3FB5] =	sst s9;
	s0 =	simm.s32 @!p0 $0x0  }
0x12: {  	s1 =	sld [smem:$0x3F9B];
	s0 =	simm.s32 @p0 $0x1  }
0x13: {  	[smem:$0x3FB6] =	sst s0;
	s0 =	simm.s32 @!p1 $0x0  }
0x14: {  	s2 =	sld [smem:$0x3F9A];
	s0 =	simm.s32 @p1 $0x1  }
0x15: {  	[smem:$0x3FB7] =	sst s0;
	s0 =	simm.s32 @!p2 $0x0  }
0x16: {  	s3 =	sld [smem:$0x3FDB];
	s0 =	simm.s32 @p2 $0x1  }
0x17: {  	s4 =	simm.s32 $0x1BF5;
	[smem:$0x3FB9] =	sst s0  }
0x18: {  	s0 =	sld [smem:$0x3F9C];
	_ =	swait.ge [sflag:s4], $0x0  }
0x19: {  	s7 =	sld [smem:$0x3F9D]  }
0x1a: {  	s8 =	sadd.s32 $0xFFFFE003, lr  }
0x1b: {  	s9 =	sadd.s32 $0xFFFFFEF7, lr;
	s5 =	simm.s32 $0xFFFFFFFF;
	p2 =	slt.u32 s8, $0xFFFFF086  }
0x1c: {  	p1 =	slt.u32 s9, $0xF7A;
	s5 =	simm.s32 @!p2 $0x0  }
0x1d: {  	s5 =	simm.s32 @p1 $0x1;
	p0 =	seq.s32 s7, s2  }
0x1e: {  	s7 =	smul.u32 @!p0 $0xF7A, s2;
	p2 =	seq.s32 @!p0 s5, $0x0  }
0x1f: {  	s9 =	smul.u32 $0xF7A, s1;
	s8 =	simm.s32 @!p0 $0x1BF5;
	p2 =	por !p2, p0  }
0x20: {  	[sflag:s8] =	ssyncset.s32 @!p0 $0xFFFFF086;
	s6 =	sadd.s32 @!p0 s3, s7;
	s7 =	simm.s32 @!p0 $0x108  }
0x21: {  	s3 =	sadd.s32 s3, s9;
	s6 =	sadd.s32 @!p0 $0x88, s6;
	s7 =	simm.s32 @p2 $0x1082  }
0x22: {  	[simem:s7], [sflag:s8] =	dma.local @!p0 [hbm:s6], $0xF7A  }
0x23: {  	s9 =	sor.u32 $0xD0000000, s2;
	s6 =	simm.s32 $0x108;
	_ =	swait.ge @!p0 [sflag:s8], $0x0  }
0x24: {  	s3 =	sadd.s32 $0x88, s3;
	s6 =	simm.s32 @!p1 $0x1082;
	[sflag:s4] =	ssyncset.s32 $0xFFFFF086  }
0x25: {  	[simem:s6], [sflag:s4] =	dma.local [hbm:s3], $0xF7A  }
0x26: {  	[smem:$0x3F9D] =	sst s1;
	(tag) =	ssettag s2;
	_ =	strace s9  }
0x27: {  	s1 =	sld [smem:$0x3FAD]  }
0x28: {  	s2 =	sld [smem:$0x3FAE]  }
0x29: {  	s4 =	sld [smem:$0x3FB0]  }
0x2a: {  	p0 =	seq.s32 s5, $0x0;
	s5 =	sld [smem:$0x3FB1]  }
0x2b: {  	s6 =	sld [smem:$0x3FB2]  }
0x2c: {  	s7 =	sld [smem:$0x3FB3]  }
0x2d: {  	s3 =	simm.s32 $0x108;
	s8 =	sld [smem:$0x3FB4]  }
0x2e: {  	s3 =	simm.s32 @!p0 $0x1082;
	s9 =	sld [smem:$0x3FB5]  }
0x2f: {  	lr =	sadd.s32 s0, s3;
	s0 =	sld [smem:$0x3FAC]  }
0x30: {  	s3 =	sld [smem:$0x3FAF]  }
0x31: {  	[smem:$0x3FB8] =	sst s10  }
0x32: {  	s10 =	sld [smem:$0x3FB6];
	_ =	sdelay $0x3  }
0x33: {  	p0 =	seq.s32 s10, $0x1;
	s10 =	sld [smem:$0x3FB8];
	_ =	sdelay $0x3  }
0x34: {  	[smem:$0x3FB8] =	sst s10  }
0x35: {  	s10 =	sld [smem:$0x3FB7];
	_ =	sdelay $0x3  }
0x36: {  	p1 =	seq.s32 s10, $0x1;
	s10 =	sld [smem:$0x3FB8];
	_ =	sdelay $0x3  }
0x37: {  	[smem:$0x3FB8] =	sst s10  }
0x38: {  	s10 =	sld [smem:$0x3FB9]  }
0x39: {  	_ = 	snop;
	(pc) =	sbr.ind lr, $3  }
0x3a: {  	_ = 	snop  }
0x3b: {  	_ = 	snop  }
0x3c: {  	p2 =	seq.s32 s10, $0x1;
	s10 =	sld [smem:$0x3FB8]  }
0x3d: {  	_ =	shalt  }
0x3e: {  	_ =	shalt  }
0x3f: {  	_ =	shalt  }
0x40: {  	_ =	shalt  }
0x41: {  	_ =	shalt  }
0x42: {  	_ =	shalt  }
0x43: {  	_ =	shalt  }
0x44: {  	_ =	shalt  }
0x45: {  	_ =	shalt  }
0x46: {  	_ =	shalt  }
0x47: {  	_ =	shalt  }
0x48: {  	_ =	shalt  }
0x49: {  	_ =	shalt  }
0x4a: {  	_ =	shalt  }
0x4b: {  	_ =	shalt  }
0x4c: {  	_ =	shalt  }
0x4d: {  	_ =	shalt  }
0x4e: {  	_ =	shalt  }
0x4f: {  	_ =	shalt  }
0x50: {  	_ =	shalt  }
0x51: {  	_ =	shalt  }
0x52: {  	_ =	shalt  }
0x53: {  	_ =	shalt  }
0x54: {  	_ =	shalt  }
0x55: {  	_ =	shalt  }
0x56: {  	_ =	shalt  }
0x57: {  	_ =	shalt  }
0x58: {  	_ =	shalt  }
0x59: {  	_ =	shalt  }
0x5a: {  	_ =	shalt  }
0x5b: {  	_ =	shalt  }
0x5c: {  	_ =	shalt  }
0x5d: {  	_ =	shalt  }
0x5e: {  	_ =	shalt  }
0x5f: {  	_ =	shalt  }
0x60: {  	_ =	shalt  }
0x61: {  	_ =	shalt  }
0x62: {  	_ =	shalt  }
0x63: {  	_ =	shalt  }
0x64: {  	_ =	shalt  }
0x65: {  	_ =	shalt  }
0x66: {  	_ =	shalt  }
0x67: {  	_ =	shalt  }
0x68: {  	_ =	shalt  }
0x69: {  	_ =	shalt  }
0x6a: {  	_ =	shalt  }
0x6b: {  	_ =	shalt  }
0x6c: {  	_ =	shalt  }
0x6d: {  	_ =	shalt  }
0x6e: {  	_ =	shalt  }
0x6f: {  	_ =	shalt  }
0x70: {  	_ =	shalt  }
0x71: {  	_ =	shalt  }
0x72: {  	_ =	shalt  }
0x73: {  	_ =	shalt  }
0x74: {  	_ =	shalt  }
0x75: {  	_ =	shalt  }
0x76: {  	_ =	shalt  }
0x77: {  	_ =	shalt  }
0x78: {  	_ =	shalt  }
0x79: {  	_ =	shalt  }
0x7a: {  	_ =	shalt  }
0x7b: {  	_ =	shalt  }
0x7c: {  	_ =	shalt  }
0x7d: {  	_ =	shalt  }
0x7e: {  	_ =	shalt  }
0x7f: {  	_ =	shalt  }
0x80: {  	_ =	shalt  }
0x81: {  	_ =	shalt  }
0x82: {  	_ =	shalt  }
0x83: {  	_ =	shalt  }
0x84: {  	_ =	shalt  }
0x85: {  	_ =	shalt  }
0x86: {  	_ =	shalt  }
0x87: {  	_ =	shalt  }
.Lfunc_end0:
.L_simem_size_0:
called_computation.1_lowered:
.L_overlay_start_0:
0x88: {  	s2 =	sld [smem:$0x3FD9]  }
0x89: {  	s3 =	sld [smem:$0x3FFE];
	_ =	sdelay $0x1  }
0x8a: {  	s1 =	srdreg.scid  }
0x8b: {  	s0 =	sand.u32 $0x1, s1  }
0x8c: {  	s17 =	sshll.u32 s0, $0xA;
	s2 =	sadd.s32 s3, s2  }
0x8d: {  	s2 =	sadd.s32 s2, s17  }
0x8e: {  	[smem:$0x3FC4] =	sst s2  }
0x8f: {  	_ = 	snop  }
0x90: {  	s2 =	sld [smem:$0x3FD0];
	(tm) =	ssettm $0x1  }
0x91: {  	s18 =	sld [smem:$0x3FFB];
	_ =	sdelay $0x3  }
0x92: {  	_ =	strace s18  }
0x93: {  	s3 =	sld [smem:$0x3FFC];
	_ =	sdelay $0x3  }
0x94: {  	_ =	strace s3  }
0x95: {  	s3 =	sld [smem:$0x3FFD];
	_ =	sdelay $0x3  }
0x96: {  	_ =	strace s3  }
0x97: {  	_ =	strace $0x8FFFFFFF  }
0x98: {  	s19 =	sld [smem:$0x3FDB];
	_ =	sdelay $0x1  }
0x99: {  	s4 =	simm.s32 $_scs_section_size  }
0x9a: {  	s5 =	simm.s32 $_size__tile_overlayer_lowered;
	s6 =	simm.s32 $_tile_overlayer_lowered  }
0x9b: {  	s22 =	simm.s32 $0x1BFF;
	s21 =	sshll.u32 s6, $0x1;
	s3 =	sadd.s32 s4, s19  }
0x9c: {  	s7 =	simm.s32 $0x0;
	s20 =	sshll.u32 s5, $0x1;
	s5 =	sadd.s32 s21, s3  }
0x9d: {  	[timem:s7], [sflag:s22] =	dma.local [hbm:s5], s20  }
0x9e: {  	_ =	swait.ge [sflag:s22], s20  }
0x9f: {  	s4 =	ssub.s32 $0x0, s20;
	[sflag:s22] =	ssyncset.done $0x0  }
0xa0: {  	[sflag:s22] =	ssyncadd.s32 s4;
	_ =	sdelay $0x1  }
0xa1: {  	s23 =	simm.s32 $0x1B8B  }
0xa2: {  	_ =	swait.ge [sflag:s23], $0x1  }
0xa3: {  	[sflag:s23] =	ssyncset.done $0x0  }
0xa4: {  	s25 =	simm.s32 $0x1B8E;
	s24 =	sld [smem:$0x3FFE];
	[sflag:s23] =	ssyncadd.s32 $0xFFFFFFFF  }
0xa5: {  	s26 =	simm.s32 $execute0_lowered;
	[smem:$0x3FD2] =	sst s25  }
0xa6: {  	s5 =	sshll.u32 s26, $0x1;
	_ =	strace $0x80000049;
	[dreg:$0x1] =	wrdreg $0xFFFFFFFF  }
0xa7: {  	s28 =	simm.s32 $_size_execute0_lowered;
	s3 =	sadd.s32 s3, s5;
	[dreg:$0x0] =	wrdreg $0x0  }
0xa8: {  	s5 =	sshll.u32 s28, $0x1;
	[dreg:$0x2] =	wrdreg s3  }
0xa9: {  	[dreg:$0x3] =	wrdreg s5  }
0xaa: {  	[dreg:$0x4] =	wrdreg $0xC0  }
0xab: {  	_ =	task [dreg:s7], $0x5FFFF  }
0xac: {  	[dreg:$0x1] =	wrdreg $0xFFFFFFFF  }
0xad: {  	[dreg:$0x0] =	wrdreg $0x60  }
0xae: {  	[dreg:$0x2] =	wrdreg s24  }
0xaf: {  	[dreg:$0x3] =	wrdreg s2  }
0xb0: {  	[dreg:$0x4] =	wrdreg $0x9  }
0xb1: {  	_ =	task.clear_ibuf [dreg:s7], $0x5FFFF;
	_ =	strace $0x90000049  }
0xb2: {  	s29 =	simm.s32 $0x9;
	_ =	strace $0x8000004B  }
0xb3: {  	_ =	swait.ge [sflag:s29], $0x1  }
0xb4: {  	[sflag:s29] =	ssyncadd.s32 $0xFFFFFFFF  }
0xb5: {  	_ =	strace $0x9000004B  }
0xb6: {  	_ =	sfence  }
0xb7: {  	s30 =	sld [smem:$0x0];
	_ =	sdelay $0x2  }
0xb8: {  	s31 =	sshll.u32 s1, $0xD;
	s1 =	sshrl.u32 s1, $0x2  }
0xb9: {  	s3 =	sand.u32 $0x4000, s31;
	s1 =	sadd.s32 s1, s30  }
0xba: {  	s0 =	sor.u32 s3, s0;
	s1 =	sshll.u32 s1, $0x11  }
0xbb: {  	s0 =	sor.u32 s1, s0  }
0xbc: {  	s0 =	sadd.s32 $0x8F2B, s0  }
0xbd: {  	[sflag:s0] =	ssyncadd.remote.s32 $0x1  }
0xbe: {  	_ =	sfence.sel $0xFFFF  }
0xbf: {  	[dreg:$0x0] =	wrdreg $0xFFFFFFFF;
	(pc) =	sbr.abs _section_cstart, $3  }
0xc0: {  	[dreg:$0x1] =	wrdreg $0xFFFFFFFF  }
0xc1: {  	_ =	task.clear_ibuf [dreg:s7], $0x2FFFF;
	_ =	strace $0x9FFFFFFF  }
0xc2: {  	(tm) =	ssettm $0x7FFFFFFF  }
0xc3: {  	_ =	shalt  }
tec
execute0_lowered:
.L_overlay_start_1:
0x0: {  	(tag) =	ssettag $0x1  }
0x1: {  	s0 =	rddreg [dreg:$0x0]  }
0x2: {  	s1 =	rddreg [dreg:$0x1]  }
0x3: {  	s2 =	srdreg.scid;
	s3 =	stileid.u32  }
0x4: {  	s26 =	simm.s32 $0x80;
	s18 =	simm.s32 $0x1;
	s21 =	simm.s32 $0x1100  }
0x5: {  	s22 =	simm.s32 $0x1900;
	s23 =	simm.s32 $0x2100;
	s28 =	simm.s32 $0x4100  }
0x6: {  	s29 =	simm.s32 $0x4900;
	s30 =	simm.s32 $0x5100;
	s31 =	simm.s32 $0x5900  }
0x7: {  	s10 =	simm.s32 $0x7100;
	s11 =	simm.s32 $0x7900;
	s12 =	simm.s32 $0x8100  }
0x8: {  	s13 =	simm.s32 $0x8900;
	s14 =	simm.s32 $0x9100;
	s15 =	simm.s32 $0x9900  }
0x9: {  	s16 =	simm.s32 $0xA100;
	s17 =	simm.s32 $0xA900;
	s4 =	sand.u32 $0x1, s2  }
0xa: {  	s2 =	simm.s32 $0x0;
	s3 =	sshll.u32 s3, $0x7;
	s5 =	sshll.u32 s4, $0x6  }
0xb: {  	[smem:$0x7FF] =	sst s2;
	s4 =	ssub.s32 $0x2, s4;
	s5 =	sor.u32 s5, s3  }
0xc: {  	_ =	strace $0x8000004A;
	s3 =	sadd.s32 $0x11600, s0;
	s8 =	sshrl.u32 s4, $0x1  }
0xd: {  	[dreg:$0x7] =	wrdreg s26;
	s26 =	simm.s32 $0x3900;
	s6 =	sshrl.u32 s5, $0x3  }
0xe: {  	s5 =	sshll.u32 s5, $0x7;
	s8 =	ssub.s32 s4, s8;
	s4 =	sadd.s32 $0x11700, s0  }
0xf: {  	s6 =	sadd.s32 s6, s0;
	s7 =	sadd.s32 s5, s0;
	s1 =	sadd.s32 s1, s5  }
0x10: {  	s5 =	sadd.s32 $0x11800, s0;
	s9 =	sadd.s32 $0x11200, s6;
	[dreg:$0x5] =	wrdreg s1  }
0x11: {  	s24 =	sadd.s32 $0x11400, s6;
	s25 =	sadd.s32 $0xA5600, s7;
	[dreg:$0x3] =	wrdreg s9  }
0x12: {  	v2 =	vlaneseq.u32;
	s6 =	sadd.s32 $0x11900, s0;
	s7 =	smax.u32 s8, $0x1;
	[dreg:$0x4] =	wrdreg s24  }
0x13: {  	vm0 =	vmmov $0xffff;
	v1 =	vshrl.u32 v2, $0x3;
	s8 =	simm.s32 $0x2;
	s0 =	simm.s32 $0x100;
	[dreg:$0x6] =	wrdreg s25  }
0x14: {  	v0 =	vand.u32 $0x7, v2;
	v2 =	vor.u32 $0x8, v2;
	v1 =	vmul.u32 $0x8, v1;
	s24 =	simm.s32 $0x2900;
	s25 =	simm.s32 $0x3100;
	s9 =	simm.s32 $0xB100  }
.LBB2_1:
0x15: {  	s19 =	rddreg [dreg:$0x3]  }
0x16: {  	[tilespmem:s2], [sflag:$0x2] =	stream.linear.gather [hbm4b:s19+s2], $0x40, $0x38;
	[tilespmem:$0x10100] =	vst v63  }
0x17: {  	_ =	swait.ge [sflag:s8], $0x40  }
0x18: {  	s1 =	rddreg [dreg:$0x4];
	[sflag:s8] =	ssyncset.done $0x0  }
0x19: {  	s20 =	rddreg [dreg:$0x7];
	[sflag:s8] =	ssyncadd.s32 $0xFFFFFFC0  }
0x1a: {  	[tilespmem:s20], [sflag:$0x2] =	stream.linear.gather [hbm4b:s1+s2], $0x40, $0x38;
	[tilespmem:$0x10100] =	vst v63  }
0x1b: {  	_ =	swait.ge [sflag:s8], $0x40  }
0x1c: {  	[sflag:s8] =	ssyncset.done $0x0  }
0x1d: {  	[sflag:s8] =	ssyncadd.s32 $0xFFFFFFC0  }
0x1e: {  	v3 =	vld [tilespmem:$0x0];
	_ =	sdelay $0x4  }
0x1f: {  	v4 =	vshll.u32 v3, $0x3  }
0x20: {  	v3 =	vand.u32 $0x7, v3;
	v4 =	vand.u32 $0xFFFFFFC0, v4  }
0x21: {  	v3 =	vor.u32 v3, v4  }
0x22: {  	v4 =	vperm.xlane v3, v0;
	_ =	sdelay $0x1  }
0x23: {  	v4 =	vadd.s32 v1, v4;
	_ =	sdelay $0x4  }
0x24: {  	[tilespmem:s0], [sflag:$0x1] =	stream.indirect_vreg.gather [hbm4b:s3+s2], $0x80, v4, vm0, $0xb8;
	[tilespmem:$0x10100] =	vst v63  }
0x25: {  	s20 =	simm.s32 $0x900;
	v3 =	vperm.xlane v3, v2  }
0x26: {  	[tilespmem:s20], [sflag:$0x1] =	stream.indirect_vreg.gather [hbm4b:s4+s2], $0x80, v4, vm0, $0xb8;
	[tilespmem:$0x10100] =	vst v63  }
0x27: {  	v3 =	vadd.s32 v1, v3  }
0x28: {  	[tilespmem:s21], [sflag:$0x1] =	stream.indirect_vreg.gather [hbm4b:s5+s2], $0x80, v4, vm0, $0xb8;
	[tilespmem:$0x10100] =	vst v63  }
0x29: {  	_ = 	snop  }
0x2a: {  	[tilespmem:s22], [sflag:$0x1] =	stream.indirect_vreg.gather [hbm4b:s6+s2], $0x80, v4, vm0, $0xb8;
	[tilespmem:$0x10100] =	vst v63  }
0x2b: {  	_ = 	snop  }
0x2c: {  	[tilespmem:s23], [sflag:$0x1] =	stream.indirect_vreg.gather [hbm4b:s3+s2], $0x80, v3, vm0, $0xb8;
	[tilespmem:$0x10100] =	vst v63  }
0x2d: {  	_ = 	snop  }
0x2e: {  	[tilespmem:s24], [sflag:$0x1] =	stream.indirect_vreg.gather [hbm4b:s4+s2], $0x80, v3, vm0, $0xb8;
	[tilespmem:$0x10100] =	vst v63  }
0x2f: {  	_ = 	snop  }
0x30: {  	[tilespmem:s25], [sflag:$0x1] =	stream.indirect_vreg.gather [hbm4b:s5+s2], $0x80, v3, vm0, $0xb8;
	[tilespmem:$0x10100] =	vst v63  }
0x31: {  	_ = 	snop  }
0x32: {  	[tilespmem:s26], [sflag:$0x1] =	stream.indirect_vreg.gather [hbm4b:s6+s2], $0x80, v3, vm0, $0xb8;
	[tilespmem:$0x10100] =	vst v63  }
0x33: {  	v3 =	vld [tilespmem:$0x10];
	_ =	sdelay $0x4  }
0x34: {  	v57 =	vshll.u32 v3, $0x3  }
0x35: {  	v3 =	vand.u32 $0x7, v3;
	v4 =	vand.u32 $0xFFFFFFC0, v57  }
0x36: {  	v3 =	vor.u32 v3, v4  }
0x37: {  	v4 =	vperm.xlane v3, v0;
	_ =	sdelay $0x1  }
0x38: {  	v4 =	vadd.s32 v1, v4;
	_ =	sdelay $0x4  }
0x39: {  	[tilespmem:s28], [sflag:$0x1] =	stream.indirect_vreg.gather [hbm4b:s3+s2], $0x80, v4, vm0, $0xb8;
	[tilespmem:$0x10100] =	vst v63  }
0x3a: {  	v3 =	vperm.xlane v3, v2  }
0x3b: {  	[tilespmem:s29], [sflag:$0x1] =	stream.indirect_vreg.gather [hbm4b:s4+s2], $0x80, v4, vm0, $0xb8;
	[tilespmem:$0x10100] =	vst v63  }
0x3c: {  	v3 =	vadd.s32 v1, v3  }
0x3d: {  	[tilespmem:s30], [sflag:$0x1] =	stream.indirect_vreg.gather [hbm4b:s5+s2], $0x80, v4, vm0, $0xb8;
	[tilespmem:$0x10100] =	vst v63  }
0x3e: {  	_ = 	snop  }
0x3f: {  	[tilespmem:s31], [sflag:$0x1] =	stream.indirect_vreg.gather [hbm4b:s6+s2], $0x80, v4, vm0, $0xb8;
	[tilespmem:$0x10100] =	vst v63  }
0x40: {  	s1 =	simm.s32 $0x6100  }
0x41: {  	[tilespmem:s1], [sflag:$0x1] =	stream.indirect_vreg.gather [hbm4b:s3+s2], $0x80, v3, vm0, $0xb8;
	[tilespmem:$0x10100] =	vst v63  }
0x42: {  	s1 =	simm.s32 $0x6900  }
0x43: {  	[tilespmem:s1], [sflag:$0x1] =	stream.indirect_vreg.gather [hbm4b:s4+s2], $0x80, v3, vm0, $0xb8;
	[tilespmem:$0x10100] =	vst v63  }
0x44: {  	_ = 	snop  }
0x45: {  	[tilespmem:s10], [sflag:$0x1] =	stream.indirect_vreg.gather [hbm4b:s5+s2], $0x80, v3, vm0, $0xb8;
	[tilespmem:$0x10100] =	vst v63  }
0x46: {  	_ = 	snop  }
0x47: {  	[tilespmem:s11], [sflag:$0x1] =	stream.indirect_vreg.gather [hbm4b:s6+s2], $0x80, v3, vm0, $0xb8;
	[tilespmem:$0x10100] =	vst v63  }
0x48: {  	v3 =	vld [tilespmem:$0x20];
	_ =	sdelay $0x4  }
0x49: {  	v58 =	vshll.u32 v3, $0x3  }
0x4a: {  	v3 =	vand.u32 $0x7, v3;
	v4 =	vand.u32 $0xFFFFFFC0, v58  }
0x4b: {  	v3 =	vor.u32 v3, v4  }
0x4c: {  	v4 =	vperm.xlane v3, v0;
	_ =	sdelay $0x1  }
0x4d: {  	v4 =	vadd.s32 v1, v4;
	_ =	sdelay $0x4  }
0x4e: {  	[tilespmem:s12], [sflag:$0x1] =	stream.indirect_vreg.gather [hbm4b:s3+s2], $0x80, v4, vm0, $0xb8;
	[tilespmem:$0x10100] =	vst v63  }
0x4f: {  	v3 =	vperm.xlane v3, v2  }
0x50: {  	[tilespmem:s13], [sflag:$0x1] =	stream.indirect_vreg.gather [hbm4b:s4+s2], $0x80, v4, vm0, $0xb8;
	[tilespmem:$0x10100] =	vst v63  }
0x51: {  	v3 =	vadd.s32 v1, v3  }
0x52: {  	[tilespmem:s14], [sflag:$0x1] =	stream.indirect_vreg.gather [hbm4b:s5+s2], $0x80, v4, vm0, $0xb8;
	[tilespmem:$0x10100] =	vst v63  }
0x53: {  	_ = 	snop  }
0x54: {  	[tilespmem:s15], [sflag:$0x1] =	stream.indirect_vreg.gather [hbm4b:s6+s2], $0x80, v4, vm0, $0xb8;
	[tilespmem:$0x10100] =	vst v63  }
0x55: {  	_ = 	snop  }
0x56: {  	[tilespmem:s16], [sflag:$0x1] =	stream.indirect_vreg.gather [hbm4b:s3+s2], $0x80, v3, vm0, $0xb8;
	[tilespmem:$0x10100] =	vst v63  }
0x57: {  	_ = 	snop  }
0x58: {  	[tilespmem:s17], [sflag:$0x1] =	stream.indirect_vreg.gather [hbm4b:s4+s2], $0x80, v3, vm0, $0xb8;
	[tilespmem:$0x10100] =	vst v63  }
0x59: {  	_ = 	snop  }
0x5a: {  	[tilespmem:s9], [sflag:$0x1] =	stream.indirect_vreg.gather [hbm4b:s5+s2], $0x80, v3, vm0, $0xb8;
	[tilespmem:$0x10100] =	vst v63  }
0x5b: {  	s19 =	simm.s32 $0xB900  }
0x5c: {  	[tilespmem:s19], [sflag:$0x1] =	stream.indirect_vreg.gather [hbm4b:s6+s2], $0x80, v3, vm0, $0xb8;
	[tilespmem:$0x10100] =	vst v63  }
0x5d: {  	v3 =	vld [tilespmem:$0x30];
	_ =	sdelay $0x4  }
0x5e: {  	v59 =	vshll.u32 v3, $0x3  }
0x5f: {  	v3 =	vand.u32 $0x7, v3;
	v4 =	vand.u32 $0xFFFFFFC0, v59  }
0x60: {  	v3 =	vor.u32 v3, v4  }
0x61: {  	v4 =	vperm.xlane v3, v0;
	_ =	sdelay $0x1  }
0x62: {  	v4 =	vadd.s32 v1, v4;
	_ =	sdelay $0x3  }
0x63: {  	s19 =	simm.s32 $0xC100  }
0x64: {  	[tilespmem:s19], [sflag:$0x1] =	stream.indirect_vreg.gather [hbm4b:s3+s2], $0x80, v4, vm0, $0xb8;
	[tilespmem:$0x10100] =	vst v63  }
0x65: {  	v3 =	vperm.xlane v3, v2;
	s19 =	simm.s32 $0xC900  }
0x66: {  	[tilespmem:s19], [sflag:$0x1] =	stream.indirect_vreg.gather [hbm4b:s4+s2], $0x80, v4, vm0, $0xb8;
	[tilespmem:$0x10100] =	vst v63  }
0x67: {  	v3 =	vadd.s32 v1, v3;
	s19 =	simm.s32 $0xD100  }
0x68: {  	[tilespmem:s19], [sflag:$0x1] =	stream.indirect_vreg.gather [hbm4b:s5+s2], $0x80, v4, vm0, $0xb8;
	[tilespmem:$0x10100] =	vst v63  }
0x69: {  	s19 =	simm.s32 $0xD900  }
0x6a: {  	[tilespmem:s19], [sflag:$0x1] =	stream.indirect_vreg.gather [hbm4b:s6+s2], $0x80, v4, vm0, $0xb8;
	[tilespmem:$0x10100] =	vst v63  }
0x6b: {  	s19 =	simm.s32 $0xE100  }
0x6c: {  	[tilespmem:s19], [sflag:$0x1] =	stream.indirect_vreg.gather [hbm4b:s3+s2], $0x80, v3, vm0, $0xb8;
	[tilespmem:$0x10100] =	vst v63  }
0x6d: {  	s19 =	simm.s32 $0xE900  }
0x6e: {  	[tilespmem:s19], [sflag:$0x1] =	stream.indirect_vreg.gather [hbm4b:s4+s2], $0x80, v3, vm0, $0xb8;
	[tilespmem:$0x10100] =	vst v63  }
0x6f: {  	s19 =	simm.s32 $0xF100  }
0x70: {  	[tilespmem:s19], [sflag:$0x1] =	stream.indirect_vreg.gather [hbm4b:s5+s2], $0x80, v3, vm0, $0xb8;
	[tilespmem:$0x10100] =	vst v63  }
0x71: {  	s19 =	simm.s32 $0xF900  }
0x72: {  	[tilespmem:s19], [sflag:$0x1] =	stream.indirect_vreg.gather [hbm4b:s6+s2], $0x80, v3, vm0, $0xb8;
	[tilespmem:$0x10100] =	vst v63  }
0x73: {  	_ =	swait.ge [sflag:s18], $0x10000  }
0x74: {  	[sflag:s18] =	ssyncset.done $0x0  }
0x75: {  	s19 =	rddreg [dreg:$0x5];
	[sflag:s18] =	ssyncadd.s32 $0xFFFF0000  }
0x76: {  	[hbm4b:s19+s2] =	stream.linear.scatter [tilespmem:s0], [sflag:$0x2], $0x10000, $0x38;
	[tilespmem:$0x10100] =	vst v63  }
0x77: {  	_ =	swait.ge [sflag:s8], $0x10000  }
0x78: {  	[sflag:s8] =	ssyncset.done $0x0  }
0x79: {  	[sflag:s8] =	ssyncadd.s32 $0xFFFF0000  }
0x7a: {  	v3 =	vld [tilespmem:$0x80];
	_ =	sdelay $0x4  }
0x7b: {  	v60 =	vshll.u32 v3, $0x3  }
0x7c: {  	v3 =	vand.u32 $0x7, v3;
	v4 =	vand.u32 $0xFFFFFFC0, v60  }
0x7d: {  	v3 =	vor.u32 v3, v4  }
0x7e: {  	v4 =	vperm.xlane v3, v0;
	_ =	sdelay $0x1  }
0x7f: {  	v4 =	vadd.s32 v1, v4;
	_ =	sdelay $0x4  }
0x80: {  	[tilespmem:s0], [sflag:$0x1] =	stream.indirect_vreg.gather [hbm4b:s3+s2], $0x80, v4, vm0, $0xb8;
	[tilespmem:$0x10100] =	vst v63  }
0x81: {  	v3 =	vperm.xlane v3, v2  }
0x82: {  	[tilespmem:s20], [sflag:$0x1] =	stream.indirect_vreg.gather [hbm4b:s4+s2], $0x80, v4, vm0, $0xb8;
	[tilespmem:$0x10100] =	vst v63  }
0x83: {  	v3 =	vadd.s32 v1, v3  }
0x84: {  	[tilespmem:s21], [sflag:$0x1] =	stream.indirect_vreg.gather [hbm4b:s5+s2], $0x80, v4, vm0, $0xb8;
	[tilespmem:$0x10100] =	vst v63  }
0x85: {  	_ = 	snop  }
0x86: {  	[tilespmem:s22], [sflag:$0x1] =	stream.indirect_vreg.gather [hbm4b:s6+s2], $0x80, v4, vm0, $0xb8;
	[tilespmem:$0x10100] =	vst v63  }
0x87: {  	_ = 	snop  }
0x88: {  	[tilespmem:s23], [sflag:$0x1] =	stream.indirect_vreg.gather [hbm4b:s3+s2], $0x80, v3, vm0, $0xb8;
	[tilespmem:$0x10100] =	vst v63  }
0x89: {  	_ = 	snop  }
0x8a: {  	[tilespmem:s24], [sflag:$0x1] =	stream.indirect_vreg.gather [hbm4b:s4+s2], $0x80, v3, vm0, $0xb8;
	[tilespmem:$0x10100] =	vst v63  }
0x8b: {  	_ = 	snop  }
0x8c: {  	[tilespmem:s25], [sflag:$0x1] =	stream.indirect_vreg.gather [hbm4b:s5+s2], $0x80, v3, vm0, $0xb8;
	[tilespmem:$0x10100] =	vst v63  }
0x8d: {  	_ = 	snop  }
0x8e: {  	[tilespmem:s26], [sflag:$0x1] =	stream.indirect_vreg.gather [hbm4b:s6+s2], $0x80, v3, vm0, $0xb8;
	[tilespmem:$0x10100] =	vst v63  }
0x8f: {  	v3 =	vld [tilespmem:$0x90];
	_ =	sdelay $0x4  }
0x90: {  	v61 =	vshll.u32 v3, $0x3  }
0x91: {  	v3 =	vand.u32 $0x7, v3;
	v4 =	vand.u32 $0xFFFFFFC0, v61  }
0x92: {  	v3 =	vor.u32 v3, v4  }
0x93: {  	v4 =	vperm.xlane v3, v0;
	_ =	sdelay $0x1  }
0x94: {  	v4 =	vadd.s32 v1, v4;
	_ =	sdelay $0x4  }
0x95: {  	[tilespmem:s28], [sflag:$0x1] =	stream.indirect_vreg.gather [hbm4b:s3+s2], $0x80, v4, vm0, $0xb8;
	[tilespmem:$0x10100] =	vst v63  }
0x96: {  	v3 =	vperm.xlane v3, v2  }
0x97: {  	[tilespmem:s29], [sflag:$0x1] =	stream.indirect_vreg.gather [hbm4b:s4+s2], $0x80, v4, vm0, $0xb8;
	[tilespmem:$0x10100] =	vst v63  }
0x98: {  	v3 =	vadd.s32 v1, v3  }
0x99: {  	[tilespmem:s30], [sflag:$0x1] =	stream.indirect_vreg.gather [hbm4b:s5+s2], $0x80, v4, vm0, $0xb8;
	[tilespmem:$0x10100] =	vst v63  }
0x9a: {  	_ = 	snop  }
0x9b: {  	[tilespmem:s31], [sflag:$0x1] =	stream.indirect_vreg.gather [hbm4b:s6+s2], $0x80, v4, vm0, $0xb8;
	[tilespmem:$0x10100] =	vst v63  }
0x9c: {  	s20 =	simm.s32 $0x6100  }
0x9d: {  	[tilespmem:s20], [sflag:$0x1] =	stream.indirect_vreg.gather [hbm4b:s3+s2], $0x80, v3, vm0, $0xb8;
	[tilespmem:$0x10100] =	vst v63  }
0x9e: {  	_ = 	snop  }
0x9f: {  	[tilespmem:s1], [sflag:$0x1] =	stream.indirect_vreg.gather [hbm4b:s4+s2], $0x80, v3, vm0, $0xb8;
	[tilespmem:$0x10100] =	vst v63  }
0xa0: {  	_ = 	snop  }
0xa1: {  	[tilespmem:s10], [sflag:$0x1] =	stream.indirect_vreg.gather [hbm4b:s5+s2], $0x80, v3, vm0, $0xb8;
	[tilespmem:$0x10100] =	vst v63  }
0xa2: {  	_ = 	snop  }
0xa3: {  	[tilespmem:s11], [sflag:$0x1] =	stream.indirect_vreg.gather [hbm4b:s6+s2], $0x80, v3, vm0, $0xb8;
	[tilespmem:$0x10100] =	vst v63  }
0xa4: {  	v3 =	vld [tilespmem:$0xA0];
	_ =	sdelay $0x4  }
0xa5: {  	v62 =	vshll.u32 v3, $0x3  }
0xa6: {  	v3 =	vand.u32 $0x7, v3;
	v4 =	vand.u32 $0xFFFFFFC0, v62  }
0xa7: {  	v3 =	vor.u32 v3, v4  }
0xa8: {  	v4 =	vperm.xlane v3, v0;
	_ =	sdelay $0x1  }
0xa9: {  	v4 =	vadd.s32 v1, v4;
	_ =	sdelay $0x4  }
0xaa: {  	[tilespmem:s12], [sflag:$0x1] =	stream.indirect_vreg.gather [hbm4b:s3+s2], $0x80, v4, vm0, $0xb8;
	[tilespmem:$0x10100] =	vst v63  }
0xab: {  	v3 =	vperm.xlane v3, v2  }
0xac: {  	[tilespmem:s13], [sflag:$0x1] =	stream.indirect_vreg.gather [hbm4b:s4+s2], $0x80, v4, vm0, $0xb8;
	[tilespmem:$0x10100] =	vst v63  }
0xad: {  	v3 =	vadd.s32 v1, v3  }
0xae: {  	[tilespmem:s14], [sflag:$0x1] =	stream.indirect_vreg.gather [hbm4b:s5+s2], $0x80, v4, vm0, $0xb8;
	[tilespmem:$0x10100] =	vst v63  }
0xaf: {  	_ = 	snop  }
0xb0: {  	[tilespmem:s15], [sflag:$0x1] =	stream.indirect_vreg.gather [hbm4b:s6+s2], $0x80, v4, vm0, $0xb8;
	[tilespmem:$0x10100] =	vst v63  }
0xb1: {  	_ = 	snop  }
0xb2: {  	[tilespmem:s16], [sflag:$0x1] =	stream.indirect_vreg.gather [hbm4b:s3+s2], $0x80, v3, vm0, $0xb8;
	[tilespmem:$0x10100] =	vst v63  }
0xb3: {  	_ = 	snop  }
0xb4: {  	[tilespmem:s17], [sflag:$0x1] =	stream.indirect_vreg.gather [hbm4b:s4+s2], $0x80, v3, vm0, $0xb8;
	[tilespmem:$0x10100] =	vst v63  }
0xb5: {  	_ = 	snop  }
0xb6: {  	[tilespmem:s9], [sflag:$0x1] =	stream.indirect_vreg.gather [hbm4b:s5+s2], $0x80, v3, vm0, $0xb8;
	[tilespmem:$0x10100] =	vst v63  }
0xb7: {  	s19 =	simm.s32 $0xB900  }
0xb8: {  	[tilespmem:s19], [sflag:$0x1] =	stream.indirect_vreg.gather [hbm4b:s6+s2], $0x80, v3, vm0, $0xb8;
	[tilespmem:$0x10100] =	vst v63  }
0xb9: {  	v3 =	vld [tilespmem:$0xB0];
	_ =	sdelay $0x4  }
0xba: {  	v63 =	vshll.u32 v3, $0x3  }
0xbb: {  	v3 =	vand.u32 $0x7, v3;
	v4 =	vand.u32 $0xFFFFFFC0, v63  }
0xbc: {  	v3 =	vor.u32 v3, v4  }
0xbd: {  	v4 =	vperm.xlane v3, v0;
	_ =	sdelay $0x1  }
0xbe: {  	v4 =	vadd.s32 v1, v4;
	_ =	sdelay $0x3  }
0xbf: {  	s20 =	simm.s32 $0xC100  }
0xc0: {  	[tilespmem:s20], [sflag:$0x1] =	stream.indirect_vreg.gather [hbm4b:s3+s2], $0x80, v4, vm0, $0xb8;
	[tilespmem:$0x10100] =	vst v63  }
0xc1: {  	s19 =	simm.s32 $0xC900;
	v3 =	vperm.xlane v3, v2  }
0xc2: {  	[tilespmem:s19], [sflag:$0x1] =	stream.indirect_vreg.gather [hbm4b:s4+s2], $0x80, v4, vm0, $0xb8;
	[tilespmem:$0x10100] =	vst v63  }
0xc3: {  	v3 =	vadd.s32 v1, v3;
	s20 =	simm.s32 $0xD100  }
0xc4: {  	[tilespmem:s20], [sflag:$0x1] =	stream.indirect_vreg.gather [hbm4b:s5+s2], $0x80, v4, vm0, $0xb8;
	[tilespmem:$0x10100] =	vst v63  }
0xc5: {  	s19 =	simm.s32 $0xD900  }
0xc6: {  	[tilespmem:s19], [sflag:$0x1] =	stream.indirect_vreg.gather [hbm4b:s6+s2], $0x80, v4, vm0, $0xb8;
	[tilespmem:$0x10100] =	vst v63  }
0xc7: {  	s20 =	simm.s32 $0xE100  }
0xc8: {  	[tilespmem:s20], [sflag:$0x1] =	stream.indirect_vreg.gather [hbm4b:s3+s2], $0x80, v3, vm0, $0xb8;
	[tilespmem:$0x10100] =	vst v63  }
0xc9: {  	s19 =	simm.s32 $0xE900  }
0xca: {  	[tilespmem:s19], [sflag:$0x1] =	stream.indirect_vreg.gather [hbm4b:s4+s2], $0x80, v3, vm0, $0xb8;
	[tilespmem:$0x10100] =	vst v63  }
0xcb: {  	s20 =	simm.s32 $0xF100  }
0xcc: {  	[tilespmem:s20], [sflag:$0x1] =	stream.indirect_vreg.gather [hbm4b:s5+s2], $0x80, v3, vm0, $0xb8;
	[tilespmem:$0x10100] =	vst v63  }
0xcd: {  	s19 =	simm.s32 $0xF900  }
0xce: {  	[tilespmem:s19], [sflag:$0x1] =	stream.indirect_vreg.gather [hbm4b:s6+s2], $0x80, v3, vm0, $0xb8;
	[tilespmem:$0x10100] =	vst v63  }
0xcf: {  	_ =	swait.ge [sflag:s18], $0x10000  }
0xd0: {  	p0 =	sne.s32 s7, $0x1;
	[sflag:s18] =	ssyncset.done $0x0  }
.Ltmp0:
0xd1: {  	s20 =	rddreg [dreg:$0x6];
	[sflag:s18] =	ssyncadd.s32 $0xFFFF0000;
	(pc) =	sbr.rel @p0 .LBB2_1-.Ltmp0, $4  }
0xd2: {  	[hbm4b:s20+s2] =	stream.linear.scatter [tilespmem:s0], [sflag:$0x2], $0x10000, $0x38;
	[tilespmem:$0x10100] =	vst v63  }
0xd3: {  	_ =	swait.ge [sflag:s8], $0x10000  }
0xd4: {  	[sflag:s8] =	ssyncset.done $0x0  }
0xd5: {  	s7 =	sadd.s32 $0xFFFFFFFF, s7;
	[sflag:s8] =	ssyncadd.s32 $0xFFFF0000  }
0xd6: {  	_ =	sfence.sel $0x180000  }
0xd7: {  	[bflag:$0x0] =	sbarrier.arrive $0xFFFF  }
0xd8: {  	_ =	strace $0x9000004A  }
0xd9: {  	s0 =	stileid.u32;
	[bflag:$0x2] =	sbarrier.arrive $0xFFFF  }
0xda: {  	p0 =	sne.s32 s0, $0x0;
	s0 =	rddreg [dreg:$0x2]  }
0xdb: {  	s0 =	sadd.s32 @!p0 $0x100000, s0  }
0xdc: {  	[sflag:s0] =	ssyncadd.tile.s32 @!p0 $0x1;
	_ =	shalt  }
.Lfunc_end2:
_tile_overlayer_lowered:
.L_overlay_start_2:
0xdd: {  	(tag) =	ssettag $0x2  }
0xde: {  	s0 =	rddreg [dreg:$0x0];
	s2 =	stileid.u32  }
0xdf: {  	s1 =	rddreg [dreg:$0x1];
	p0 =	sne.s32 s2, $0x0  }
0xe0: {  	s3 =	rddreg [dreg:$0x2];
	[bflag:$0x3] =	sbarrier.arrive $0xFFFF;
	s2 =	simm.s32 @!p0 $0x1C02  }
0xe1: {  	[timem:s3], [sflag:s2] =	dma.local @!p0 [hbm:s0], s1  }
0xe2: {  	s0 =	simm.s32 @!p0 $0x2  }
0xe3: {  	_ =	swait.ge @!p0 [sflag:s0], s1  }
0xe4: {  	s1 =	ssub.s32 @!p0 $0x0, s1;
	[sflag:s0] =	ssyncset.done @!p0 $0x0  }
0xe5: {  	[sflag:s0] =	ssyncadd.s32 @!p0 s1  }
0xe6: {  	[bflag:$0x3] =	sbarrier.arrive $0xFFFF  }
0xe7: {  	_ =	shalt  }

// kernel: kernel.7.cloned.1.call-start
scs
__scs_entry_jumppad:
0x0: {  	(pc) =	sbr.rel $0x88, $3  }
0x1: {  	(tag) =	ssettag $0x0;
	lr =	simm.s32 $0x1  }
0x2: {  	[smem:$0x3F9D] =	sst lr;
	_ =	strace $0xD0000000  }
0x3: {  	_ = 	snop  }
0x4: {  	_ = 	snop  }
0x5: {  	_ = 	snop  }
0x6: {  	_ = 	snop  }
0x7: {  	_ = 	snop  }
__scs_overlays_trampoline_lowered:
0x8: {  	[smem:$0x3FAC] =	sst s0  }
0x9: {  	[smem:$0x3FAD] =	sst s1  }
0xa: {  	[smem:$0x3FAE] =	sst s2  }
0xb: {  	[smem:$0x3FAF] =	sst s3  }
0xc: {  	[smem:$0x3FB0] =	sst s4  }
0xd: {  	[smem:$0x3FB1] =	sst s5  }
0xe: {  	[smem:$0x3FB2] =	sst s6  }
0xf: {  	[smem:$0x3FB3] =	sst s7  }
0x10: {  	[smem:$0x3FB4] =	sst s8  }
0x11: {  	[smem:$0x3FB5] =	sst s9;
	s0 =	simm.s32 @!p0 $0x0  }
0x12: {  	s1 =	sld [smem:$0x3F9B];
	s0 =	simm.s32 @p0 $0x1  }
0x13: {  	[smem:$0x3FB6] =	sst s0;
	s0 =	simm.s32 @!p1 $0x0  }
0x14: {  	s2 =	sld [smem:$0x3F9A];
	s0 =	simm.s32 @p1 $0x1  }
0x15: {  	[smem:$0x3FB7] =	sst s0;
	s0 =	simm.s32 @!p2 $0x0  }
0x16: {  	s3 =	sld [smem:$0x3FDB];
	s0 =	simm.s32 @p2 $0x1  }
0x17: {  	s4 =	simm.s32 $0x1BF5;
	[smem:$0x3FB9] =	sst s0  }
0x18: {  	s0 =	sld [smem:$0x3F9C];
	_ =	swait.ge [sflag:s4], $0x0  }
0x19: {  	s7 =	sld [smem:$0x3F9D]  }
0x1a: {  	s8 =	sadd.s32 $0xFFFFE003, lr  }
0x1b: {  	s9 =	sadd.s32 $0xFFFFFEF7, lr;
	s5 =	simm.s32 $0xFFFFFFFF;
	p2 =	slt.u32 s8, $0xFFFFF086  }
0x1c: {  	p1 =	slt.u32 s9, $0xF7A;
	s5 =	simm.s32 @!p2 $0x0  }
0x1d: {  	s5 =	simm.s32 @p1 $0x1;
	p0 =	seq.s32 s7, s2  }
0x1e: {  	s7 =	smul.u32 @!p0 $0xF7A, s2;
	p2 =	seq.s32 @!p0 s5, $0x0  }
0x1f: {  	s9 =	smul.u32 $0xF7A, s1;
	s8 =	simm.s32 @!p0 $0x1BF5;
	p2 =	por !p2, p0  }
0x20: {  	[sflag:s8] =	ssyncset.s32 @!p0 $0xFFFFF086;
	s6 =	sadd.s32 @!p0 s3, s7;
	s7 =	simm.s32 @!p0 $0x108  }
0x21: {  	s3 =	sadd.s32 s3, s9;
	s6 =	sadd.s32 @!p0 $0x88, s6;
	s7 =	simm.s32 @p2 $0x1082  }
0x22: {  	[simem:s7], [sflag:s8] =	dma.local @!p0 [hbm:s6], $0xF7A  }
0x23: {  	s9 =	sor.u32 $0xD0000000, s2;
	s6 =	simm.s32 $0x108;
	_ =	swait.ge @!p0 [sflag:s8], $0x0  }
0x24: {  	s3 =	sadd.s32 $0x88, s3;
	s6 =	simm.s32 @!p1 $0x1082;
	[sflag:s4] =	ssyncset.s32 $0xFFFFF086  }
0x25: {  	[simem:s6], [sflag:s4] =	dma.local [hbm:s3], $0xF7A  }
0x26: {  	[smem:$0x3F9D] =	sst s1;
	(tag) =	ssettag s2;
	_ =	strace s9  }
0x27: {  	s1 =	sld [smem:$0x3FAD]  }
0x28: {  	s2 =	sld [smem:$0x3FAE]  }
0x29: {  	s4 =	sld [smem:$0x3FB0]  }
0x2a: {  	p0 =	seq.s32 s5, $0x0;
	s5 =	sld [smem:$0x3FB1]  }
0x2b: {  	s6 =	sld [smem:$0x3FB2]  }
0x2c: {  	s7 =	sld [smem:$0x3FB3]  }
0x2d: {  	s3 =	simm.s32 $0x108;
	s8 =	sld [smem:$0x3FB4]  }
0x2e: {  	s3 =	simm.s32 @!p0 $0x1082;
	s9 =	sld [smem:$0x3FB5]  }
0x2f: {  	lr =	sadd.s32 s0, s3;
	s0 =	sld [smem:$0x3FAC]  }
0x30: {  	s3 =	sld [smem:$0x3FAF]  }
0x31: {  	[smem:$0x3FB8] =	sst s10  }
0x32: {  	s10 =	sld [smem:$0x3FB6];
	_ =	sdelay $0x3  }
0x33: {  	p0 =	seq.s32 s10, $0x1;
	s10 =	sld [smem:$0x3FB8];
	_ =	sdelay $0x3  }
0x34: {  	[smem:$0x3FB8] =	sst s10  }
0x35: {  	s10 =	sld [smem:$0x3FB7];
	_ =	sdelay $0x3  }
0x36: {  	p1 =	seq.s32 s10, $0x1;
	s10 =	sld [smem:$0x3FB8];
	_ =	sdelay $0x3  }
0x37: {  	[smem:$0x3FB8] =	sst s10  }
0x38: {  	s10 =	sld [smem:$0x3FB9]  }
0x39: {  	_ = 	snop;
	(pc) =	sbr.ind lr, $3  }
0x3a: {  	_ = 	snop  }
0x3b: {  	_ = 	snop  }
0x3c: {  	p2 =	seq.s32 s10, $0x1;
	s10 =	sld [smem:$0x3FB8]  }
0x3d: {  	_ =	shalt  }
0x3e: {  	_ =	shalt  }
0x3f: {  	_ =	shalt  }
0x40: {  	_ =	shalt  }
0x41: {  	_ =	shalt  }
0x42: {  	_ =	shalt  }
0x43: {  	_ =	shalt  }
0x44: {  	_ =	shalt  }
0x45: {  	_ =	shalt  }
0x46: {  	_ =	shalt  }
0x47: {  	_ =	shalt  }
0x48: {  	_ =	shalt  }
0x49: {  	_ =	shalt  }
0x4a: {  	_ =	shalt  }
0x4b: {  	_ =	shalt  }
0x4c: {  	_ =	shalt  }
0x4d: {  	_ =	shalt  }
0x4e: {  	_ =	shalt  }
0x4f: {  	_ =	shalt  }
0x50: {  	_ =	shalt  }
0x51: {  	_ =	shalt  }
0x52: {  	_ =	shalt  }
0x53: {  	_ =	shalt  }
0x54: {  	_ =	shalt  }
0x55: {  	_ =	shalt  }
0x56: {  	_ =	shalt  }
0x57: {  	_ =	shalt  }
0x58: {  	_ =	shalt  }
0x59: {  	_ =	shalt  }
0x5a: {  	_ =	shalt  }
0x5b: {  	_ =	shalt  }
0x5c: {  	_ =	shalt  }
0x5d: {  	_ =	shalt  }
0x5e: {  	_ =	shalt  }
0x5f: {  	_ =	shalt  }
0x60: {  	_ =	shalt  }
0x61: {  	_ =	shalt  }
0x62: {  	_ =	shalt  }
0x63: {  	_ =	shalt  }
0x64: {  	_ =	shalt  }
0x65: {  	_ =	shalt  }
0x66: {  	_ =	shalt  }
0x67: {  	_ =	shalt  }
0x68: {  	_ =	shalt  }
0x69: {  	_ =	shalt  }
0x6a: {  	_ =	shalt  }
0x6b: {  	_ =	shalt  }
0x6c: {  	_ =	shalt  }
0x6d: {  	_ =	shalt  }
0x6e: {  	_ =	shalt  }
0x6f: {  	_ =	shalt  }
0x70: {  	_ =	shalt  }
0x71: {  	_ =	shalt  }
0x72: {  	_ =	shalt  }
0x73: {  	_ =	shalt  }
0x74: {  	_ =	shalt  }
0x75: {  	_ =	shalt  }
0x76: {  	_ =	shalt  }
0x77: {  	_ =	shalt  }
0x78: {  	_ =	shalt  }
0x79: {  	_ =	shalt  }
0x7a: {  	_ =	shalt  }
0x7b: {  	_ =	shalt  }
0x7c: {  	_ =	shalt  }
0x7d: {  	_ =	shalt  }
0x7e: {  	_ =	shalt  }
0x7f: {  	_ =	shalt  }
0x80: {  	_ =	shalt  }
0x81: {  	_ =	shalt  }
0x82: {  	_ =	shalt  }
0x83: {  	_ =	shalt  }
0x84: {  	_ =	shalt  }
0x85: {  	_ =	shalt  }
0x86: {  	_ =	shalt  }
0x87: {  	_ =	shalt  }
.Lfunc_end0:
.L_simem_size_0:
called_computation_lowered:
.L_overlay_start_0:
0x88: {  	s2 =	sld [smem:$0x3FD9]  }
0x89: {  	s3 =	sld [smem:$0x3FFE];
	_ =	sdelay $0x1  }
0x8a: {  	s1 =	srdreg.scid  }
0x8b: {  	s0 =	sand.u32 $0x1, s1  }
0x8c: {  	s17 =	sshll.u32 s0, $0xA;
	s2 =	sadd.s32 s3, s2  }
0x8d: {  	s2 =	sadd.s32 s2, s17  }
0x8e: {  	[smem:$0x3FC4] =	sst s2  }
0x8f: {  	_ = 	snop  }
0x90: {  	s2 =	sld [smem:$0x3FC9];
	(tm) =	ssettm $0x1  }
0x91: {  	s18 =	sld [smem:$0x3FFB];
	_ =	sdelay $0x3  }
0x92: {  	_ =	strace s18  }
0x93: {  	s3 =	sld [smem:$0x3FFC];
	_ =	sdelay $0x3  }
0x94: {  	_ =	strace s3  }
0x95: {  	s3 =	sld [smem:$0x3FFD];
	_ =	sdelay $0x3  }
0x96: {  	_ =	strace s3  }
0x97: {  	_ =	strace $0x8FFFFFFF  }
0x98: {  	s19 =	sld [smem:$0x3FDB];
	_ =	sdelay $0x1  }
0x99: {  	s4 =	simm.s32 $_scs_section_size  }
0x9a: {  	s5 =	simm.s32 $_size__tile_overlayer_lowered;
	s6 =	simm.s32 $_tile_overlayer_lowered  }
0x9b: {  	s22 =	simm.s32 $0x1BFF;
	s21 =	sshll.u32 s6, $0x1;
	s3 =	sadd.s32 s4, s19  }
0x9c: {  	s7 =	simm.s32 $0x0;
	s20 =	sshll.u32 s5, $0x1;
	s5 =	sadd.s32 s21, s3  }
0x9d: {  	[timem:s7], [sflag:s22] =	dma.local [hbm:s5], s20  }
0x9e: {  	_ =	swait.ge [sflag:s22], s20  }
0x9f: {  	s4 =	ssub.s32 $0x0, s20;
	[sflag:s22] =	ssyncset.done $0x0  }
0xa0: {  	[sflag:s22] =	ssyncadd.s32 s4;
	_ =	sdelay $0x1  }
0xa1: {  	s23 =	simm.s32 $0x1B8B  }
0xa2: {  	_ =	swait.ge [sflag:s23], $0x1  }
0xa3: {  	[sflag:s23] =	ssyncset.done $0x0  }
0xa4: {  	s25 =	simm.s32 $0x1B8E;
	s24 =	sld [smem:$0x3FFE];
	[sflag:s23] =	ssyncadd.s32 $0xFFFFFFFF  }
0xa5: {  	s26 =	simm.s32 $execute0_lowered;
	[smem:$0x3FD2] =	sst s25  }
0xa6: {  	s5 =	sshll.u32 s26, $0x1;
	_ =	strace $0x80000046;
	[dreg:$0x1] =	wrdreg $0xFFFFFFFF  }
0xa7: {  	s28 =	simm.s32 $_size_execute0_lowered;
	s3 =	sadd.s32 s3, s5;
	[dreg:$0x0] =	wrdreg $0x0  }
0xa8: {  	s5 =	sshll.u32 s28, $0x1;
	[dreg:$0x2] =	wrdreg s3  }
0xa9: {  	[dreg:$0x3] =	wrdreg s5  }
0xaa: {  	[dreg:$0x4] =	wrdreg $0xC0  }
0xab: {  	_ =	task [dreg:s7], $0x5FFFF  }
0xac: {  	[dreg:$0x1] =	wrdreg $0xFFFFFFFF  }
0xad: {  	[dreg:$0x0] =	wrdreg $0x60  }
0xae: {  	[dreg:$0x2] =	wrdreg s2  }
0xaf: {  	[dreg:$0x3] =	wrdreg s24  }
0xb0: {  	[dreg:$0x4] =	wrdreg $0x9  }
0xb1: {  	_ =	task.clear_ibuf [dreg:s7], $0x5FFFF;
	_ =	strace $0x90000046  }
0xb2: {  	s29 =	simm.s32 $0x9;
	_ =	strace $0x80000048  }
0xb3: {  	_ =	swait.ge [sflag:s29], $0x1  }
0xb4: {  	[sflag:s29] =	ssyncadd.s32 $0xFFFFFFFF  }
0xb5: {  	_ =	strace $0x90000048  }
0xb6: {  	_ =	sfence  }
0xb7: {  	s30 =	sld [smem:$0x0];
	_ =	sdelay $0x2  }
0xb8: {  	s31 =	sshll.u32 s1, $0xD;
	s1 =	sshrl.u32 s1, $0x2  }
0xb9: {  	s3 =	sand.u32 $0x4000, s31;
	s1 =	sadd.s32 s1, s30  }
0xba: {  	s0 =	sor.u32 s3, s0;
	s1 =	sshll.u32 s1, $0x11  }
0xbb: {  	s0 =	sor.u32 s1, s0  }
0xbc: {  	s0 =	sadd.s32 $0x8F2B, s0  }
0xbd: {  	[sflag:s0] =	ssyncadd.remote.s32 $0x1  }
0xbe: {  	_ =	sfence.sel $0xFFFF  }
0xbf: {  	[dreg:$0x0] =	wrdreg $0xFFFFFFFF;
	(pc) =	sbr.abs _section_cstart, $3  }
0xc0: {  	[dreg:$0x1] =	wrdreg $0xFFFFFFFF  }
0xc1: {  	_ =	task.clear_ibuf [dreg:s7], $0x2FFFF;
	_ =	strace $0x9FFFFFFF  }
0xc2: {  	(tm) =	ssettm $0x7FFFFFFF  }
0xc3: {  	_ =	shalt  }
tec
execute0_lowered:
.L_overlay_start_1:
0x0: {  	(tag) =	ssettag $0x1  }
0x1: {  	s0 =	rddreg [dreg:$0x0]  }
0x2: {  	s1 =	rddreg [dreg:$0x1]  }
0x3: {  	s2 =	srdreg.scid;
	s3 =	stileid.u32;
	s9 =	simm.s32 $0x2  }
0x4: {  	s26 =	simm.s32 $0x80;
	s21 =	simm.s32 $0x1900;
	s22 =	simm.s32 $0x2100  }
0x5: {  	s28 =	simm.s32 $0x4900;
	s29 =	simm.s32 $0x5100;
	s30 =	simm.s32 $0x5900  }
0x6: {  	s31 =	simm.s32 $0x6100;
	s10 =	simm.s32 $0x7900;
	s11 =	simm.s32 $0x8100  }
0x7: {  	s12 =	simm.s32 $0x8900;
	s13 =	simm.s32 $0x9100;
	s14 =	simm.s32 $0x9900  }
0x8: {  	s15 =	simm.s32 $0xA100;
	s16 =	simm.s32 $0xA900;
	s17 =	simm.s32 $0xB100  }
0x9: {  	s8 =	simm.s32 $0xB900;
	s4 =	sand.u32 $0x1, s2;
	s2 =	simm.s32 $0x0  }
0xa: {  	s3 =	sshll.u32 s3, $0x7;
	s5 =	sshll.u32 s4, $0x6;
	[smem:$0x7FF] =	sst s2  }
0xb: {  	s4 =	ssub.s32 $0x2, s4;
	s3 =	sor.u32 s5, s3;
	_ =	strace $0x80000047  }
0xc: {  	s24 =	sshrl.u32 s4, $0x1;
	[dreg:$0x6] =	wrdreg s26;
	s26 =	simm.s32 $0x4100  }
0xd: {  	s5 =	sshrl.u32 s3, $0x3;
	s6 =	sshll.u32 s3, $0x7;
	s3 =	sadd.s32 $0x11600, s1  }
0xe: {  	s7 =	ssub.s32 s4, s24;
	s4 =	sadd.s32 $0x11700, s1;
	s24 =	simm.s32 $0x3100  }
0xf: {  	s5 =	sadd.s32 s5, s1;
	s0 =	sadd.s32 s0, s6;
	s6 =	sadd.s32 $0x11900, s1  }
0x10: {  	v2 =	vlaneseq.u32;
	s7 =	smax.u32 s7, $0x1;
	[dreg:$0x3] =	wrdreg s0;
	s23 =	sadd.s32 $0x11200, s5  }
0x11: {  	vm0 =	vmmov $0xffff;
	v1 =	vshrl.u32 v2, $0x3;
	s25 =	sadd.s32 $0x11400, s5;
	s5 =	sadd.s32 $0x11800, s1;
	[dreg:$0x4] =	wrdreg s23  }
0x12: {  	v0 =	vand.u32 $0x7, v2;
	v2 =	vor.u32 $0x8, v2;
	v1 =	vmul.u32 $0x8, v1;
	[dreg:$0x5] =	wrdreg s25;
	s23 =	simm.s32 $0x2900;
	s25 =	simm.s32 $0x3900  }
.LBB2_1:
0x13: {  	s19 =	rddreg [dreg:$0x3];
	s18 =	simm.s32 $0x100  }
0x14: {  	[tilespmem:s18], [sflag:$0x2] =	stream.linear.gather [hbm4b:s19+s2], $0x10000, $0x38;
	[tilespmem:$0x10100] =	vst v63  }
0x15: {  	_ =	swait.ge [sflag:s9], $0x10000  }
0x16: {  	[sflag:s9] =	ssyncset.done $0x0  }
0x17: {  	s0 =	rddreg [dreg:$0x4];
	[sflag:s9] =	ssyncadd.s32 $0xFFFF0000  }
0x18: {  	[tilespmem:s2], [sflag:$0x2] =	stream.linear.gather [hbm4b:s0+s2], $0x40, $0x38;
	[tilespmem:$0x10100] =	vst v63  }
0x19: {  	_ =	swait.ge [sflag:s9], $0x40  }
0x1a: {  	s1 =	rddreg [dreg:$0x5];
	[sflag:s9] =	ssyncset.done $0x0  }
0x1b: {  	s20 =	rddreg [dreg:$0x6];
	[sflag:s9] =	ssyncadd.s32 $0xFFFFFFC0  }
0x1c: {  	[tilespmem:s20], [sflag:$0x2] =	stream.linear.gather [hbm4b:s1+s2], $0x40, $0x38;
	[tilespmem:$0x10100] =	vst v63  }
0x1d: {  	_ =	swait.ge [sflag:s9], $0x40  }
0x1e: {  	[sflag:s9] =	ssyncset.done $0x0  }
0x1f: {  	[sflag:s9] =	ssyncadd.s32 $0xFFFFFFC0  }
0x20: {  	v3 =	vld [tilespmem:$0x0];
	_ =	sdelay $0x4  }
0x21: {  	v4 =	vshll.u32 v3, $0x3  }
0x22: {  	v3 =	vand.u32 $0x7, v3;
	v4 =	vand.u32 $0xFFFFFFC0, v4  }
0x23: {  	v3 =	vor.u32 v3, v4  }
0x24: {  	v4 =	vperm.xlane v3, v0;
	_ =	sdelay $0x1  }
0x25: {  	v4 =	vadd.s32 v1, v4;
	_ =	sdelay $0x4  }
0x26: {  	[hbm4b:s3+s2] =	stream.indirect_vreg.scatter [tilespmem:s18], [sflag:$0x1], $0x80, v4, vm0, $0xb8;
	[tilespmem:$0x10100] =	vst v63  }
0x27: {  	s19 =	simm.s32 $0x900;
	v3 =	vperm.xlane v3, v2  }
0x28: {  	[hbm4b:s4+s2] =	stream.indirect_vreg.scatter [tilespmem:s19], [sflag:$0x1], $0x80, v4, vm0, $0xb8;
	[tilespmem:$0x10100] =	vst v63  }
0x29: {  	s20 =	simm.s32 $0x1100;
	v3 =	vadd.s32 v1, v3  }
0x2a: {  	[hbm4b:s5+s2] =	stream.indirect_vreg.scatter [tilespmem:s20], [sflag:$0x1], $0x80, v4, vm0, $0xb8;
	[tilespmem:$0x10100] =	vst v63  }
0x2b: {  	_ = 	snop  }
0x2c: {  	[hbm4b:s6+s2] =	stream.indirect_vreg.scatter [tilespmem:s21], [sflag:$0x1], $0x80, v4, vm0, $0xb8;
	[tilespmem:$0x10100] =	vst v63  }
0x2d: {  	_ = 	snop  }
0x2e: {  	[hbm4b:s3+s2] =	stream.indirect_vreg.scatter [tilespmem:s22], [sflag:$0x1], $0x80, v3, vm0, $0xb8;
	[tilespmem:$0x10100] =	vst v63  }
0x2f: {  	_ = 	snop  }
0x30: {  	[hbm4b:s4+s2] =	stream.indirect_vreg.scatter [tilespmem:s23], [sflag:$0x1], $0x80, v3, vm0, $0xb8;
	[tilespmem:$0x10100] =	vst v63  }
0x31: {  	_ = 	snop  }
0x32: {  	[hbm4b:s5+s2] =	stream.indirect_vreg.scatter [tilespmem:s24], [sflag:$0x1], $0x80, v3, vm0, $0xb8;
	[tilespmem:$0x10100] =	vst v63  }
0x33: {  	_ = 	snop  }
0x34: {  	[hbm4b:s6+s2] =	stream.indirect_vreg.scatter [tilespmem:s25], [sflag:$0x1], $0x80, v3, vm0, $0xb8;
	[tilespmem:$0x10100] =	vst v63  }
0x35: {  	v3 =	vld [tilespmem:$0x10];
	_ =	sdelay $0x4  }
0x36: {  	v57 =	vshll.u32 v3, $0x3  }
0x37: {  	v3 =	vand.u32 $0x7, v3;
	v4 =	vand.u32 $0xFFFFFFC0, v57  }
0x38: {  	v3 =	vor.u32 v3, v4  }
0x39: {  	v4 =	vperm.xlane v3, v0;
	_ =	sdelay $0x1  }
0x3a: {  	v4 =	vadd.s32 v1, v4;
	_ =	sdelay $0x4  }
0x3b: {  	[hbm4b:s3+s2] =	stream.indirect_vreg.scatter [tilespmem:s26], [sflag:$0x1], $0x80, v4, vm0, $0xb8;
	[tilespmem:$0x10100] =	vst v63  }
0x3c: {  	v3 =	vperm.xlane v3, v2  }
0x3d: {  	[hbm4b:s4+s2] =	stream.indirect_vreg.scatter [tilespmem:s28], [sflag:$0x1], $0x80, v4, vm0, $0xb8;
	[tilespmem:$0x10100] =	vst v63  }
0x3e: {  	v3 =	vadd.s32 v1, v3  }
0x3f: {  	[hbm4b:s5+s2] =	stream.indirect_vreg.scatter [tilespmem:s29], [sflag:$0x1], $0x80, v4, vm0, $0xb8;
	[tilespmem:$0x10100] =	vst v63  }
0x40: {  	_ = 	snop  }
0x41: {  	[hbm4b:s6+s2] =	stream.indirect_vreg.scatter [tilespmem:s30], [sflag:$0x1], $0x80, v4, vm0, $0xb8;
	[tilespmem:$0x10100] =	vst v63  }
0x42: {  	_ = 	snop  }
0x43: {  	[hbm4b:s3+s2] =	stream.indirect_vreg.scatter [tilespmem:s31], [sflag:$0x1], $0x80, v3, vm0, $0xb8;
	[tilespmem:$0x10100] =	vst v63  }
0x44: {  	s0 =	simm.s32 $0x6900  }
0x45: {  	[hbm4b:s4+s2] =	stream.indirect_vreg.scatter [tilespmem:s0], [sflag:$0x1], $0x80, v3, vm0, $0xb8;
	[tilespmem:$0x10100] =	vst v63  }
0x46: {  	s1 =	simm.s32 $0x7100  }
0x47: {  	[hbm4b:s5+s2] =	stream.indirect_vreg.scatter [tilespmem:s1], [sflag:$0x1], $0x80, v3, vm0, $0xb8;
	[tilespmem:$0x10100] =	vst v63  }
0x48: {  	_ = 	snop  }
0x49: {  	[hbm4b:s6+s2] =	stream.indirect_vreg.scatter [tilespmem:s10], [sflag:$0x1], $0x80, v3, vm0, $0xb8;
	[tilespmem:$0x10100] =	vst v63  }
0x4a: {  	v3 =	vld [tilespmem:$0x20];
	_ =	sdelay $0x4  }
0x4b: {  	v58 =	vshll.u32 v3, $0x3  }
0x4c: {  	v3 =	vand.u32 $0x7, v3;
	v4 =	vand.u32 $0xFFFFFFC0, v58  }
0x4d: {  	v3 =	vor.u32 v3, v4  }
0x4e: {  	v4 =	vperm.xlane v3, v0;
	_ =	sdelay $0x1  }
0x4f: {  	v4 =	vadd.s32 v1, v4;
	_ =	sdelay $0x4  }
0x50: {  	[hbm4b:s3+s2] =	stream.indirect_vreg.scatter [tilespmem:s11], [sflag:$0x1], $0x80, v4, vm0, $0xb8;
	[tilespmem:$0x10100] =	vst v63  }
0x51: {  	v3 =	vperm.xlane v3, v2  }
0x52: {  	[hbm4b:s4+s2] =	stream.indirect_vreg.scatter [tilespmem:s12], [sflag:$0x1], $0x80, v4, vm0, $0xb8;
	[tilespmem:$0x10100] =	vst v63  }
0x53: {  	v3 =	vadd.s32 v1, v3  }
0x54: {  	[hbm4b:s5+s2] =	stream.indirect_vreg.scatter [tilespmem:s13], [sflag:$0x1], $0x80, v4, vm0, $0xb8;
	[tilespmem:$0x10100] =	vst v63  }
0x55: {  	_ = 	snop  }
0x56: {  	[hbm4b:s6+s2] =	stream.indirect_vreg.scatter [tilespmem:s14], [sflag:$0x1], $0x80, v4, vm0, $0xb8;
	[tilespmem:$0x10100] =	vst v63  }
0x57: {  	_ = 	snop  }
0x58: {  	[hbm4b:s3+s2] =	stream.indirect_vreg.scatter [tilespmem:s15], [sflag:$0x1], $0x80, v3, vm0, $0xb8;
	[tilespmem:$0x10100] =	vst v63  }
0x59: {  	_ = 	snop  }
0x5a: {  	[hbm4b:s4+s2] =	stream.indirect_vreg.scatter [tilespmem:s16], [sflag:$0x1], $0x80, v3, vm0, $0xb8;
	[tilespmem:$0x10100] =	vst v63  }
0x5b: {  	_ = 	snop  }
0x5c: {  	[hbm4b:s5+s2] =	stream.indirect_vreg.scatter [tilespmem:s17], [sflag:$0x1], $0x80, v3, vm0, $0xb8;
	[tilespmem:$0x10100] =	vst v63  }
0x5d: {  	_ = 	snop  }
0x5e: {  	[hbm4b:s6+s2] =	stream.indirect_vreg.scatter [tilespmem:s8], [sflag:$0x1], $0x80, v3, vm0, $0xb8;
	[tilespmem:$0x10100] =	vst v63  }
0x5f: {  	v3 =	vld [tilespmem:$0x30];
	_ =	sdelay $0x4  }
0x60: {  	v59 =	vshll.u32 v3, $0x3  }
0x61: {  	v3 =	vand.u32 $0x7, v3;
	v4 =	vand.u32 $0xFFFFFFC0, v59  }
0x62: {  	v3 =	vor.u32 v3, v4  }
0x63: {  	v4 =	vperm.xlane v3, v0;
	_ =	sdelay $0x1  }
0x64: {  	v4 =	vadd.s32 v1, v4;
	_ =	sdelay $0x3  }
0x65: {  	s0 =	simm.s32 $0xC100  }
0x66: {  	[hbm4b:s3+s2] =	stream.indirect_vreg.scatter [tilespmem:s0], [sflag:$0x1], $0x80, v4, vm0, $0xb8;
	[tilespmem:$0x10100] =	vst v63  }
0x67: {  	v3 =	vperm.xlane v3, v2;
	s0 =	simm.s32 $0xC900  }
0x68: {  	[hbm4b:s4+s2] =	stream.indirect_vreg.scatter [tilespmem:s0], [sflag:$0x1], $0x80, v4, vm0, $0xb8;
	[tilespmem:$0x10100] =	vst v63  }
0x69: {  	v3 =	vadd.s32 v1, v3;
	s0 =	simm.s32 $0xD100  }
0x6a: {  	[hbm4b:s5+s2] =	stream.indirect_vreg.scatter [tilespmem:s0], [sflag:$0x1], $0x80, v4, vm0, $0xb8;
	[tilespmem:$0x10100] =	vst v63  }
0x6b: {  	s0 =	simm.s32 $0xD900  }
0x6c: {  	[hbm4b:s6+s2] =	stream.indirect_vreg.scatter [tilespmem:s0], [sflag:$0x1], $0x80, v4, vm0, $0xb8;
	[tilespmem:$0x10100] =	vst v63  }
0x6d: {  	s0 =	simm.s32 $0xE100  }
0x6e: {  	[hbm4b:s3+s2] =	stream.indirect_vreg.scatter [tilespmem:s0], [sflag:$0x1], $0x80, v3, vm0, $0xb8;
	[tilespmem:$0x10100] =	vst v63  }
0x6f: {  	s0 =	simm.s32 $0xE900  }
0x70: {  	[hbm4b:s4+s2] =	stream.indirect_vreg.scatter [tilespmem:s0], [sflag:$0x1], $0x80, v3, vm0, $0xb8;
	[tilespmem:$0x10100] =	vst v63  }
0x71: {  	s0 =	simm.s32 $0xF100  }
0x72: {  	[hbm4b:s5+s2] =	stream.indirect_vreg.scatter [tilespmem:s0], [sflag:$0x1], $0x80, v3, vm0, $0xb8;
	[tilespmem:$0x10100] =	vst v63  }
0x73: {  	s0 =	simm.s32 $0xF900  }
0x74: {  	[hbm4b:s6+s2] =	stream.indirect_vreg.scatter [tilespmem:s0], [sflag:$0x1], $0x80, v3, vm0, $0xb8;
	[tilespmem:$0x10100] =	vst v63  }
0x75: {  	v3 =	vld [tilespmem:$0x80];
	_ =	sdelay $0x4  }
0x76: {  	v60 =	vshll.u32 v3, $0x3  }
0x77: {  	v3 =	vand.u32 $0x7, v3;
	v4 =	vand.u32 $0xFFFFFFC0, v60  }
0x78: {  	v3 =	vor.u32 v3, v4  }
0x79: {  	v4 =	vperm.xlane v3, v0;
	_ =	sdelay $0x1  }
0x7a: {  	v4 =	vadd.s32 v1, v4;
	_ =	sdelay $0x4  }
0x7b: {  	[hbm4b:s3+s2] =	stream.indirect_vreg.scatter [tilespmem:s18], [sflag:$0x1], $0x80, v4, vm0, $0xb8;
	[tilespmem:$0x10100] =	vst v63  }
0x7c: {  	v3 =	vperm.xlane v3, v2  }
0x7d: {  	[hbm4b:s4+s2] =	stream.indirect_vreg.scatter [tilespmem:s19], [sflag:$0x1], $0x80, v4, vm0, $0xb8;
	[tilespmem:$0x10100] =	vst v63  }
0x7e: {  	v3 =	vadd.s32 v1, v3  }
0x7f: {  	[hbm4b:s5+s2] =	stream.indirect_vreg.scatter [tilespmem:s20], [sflag:$0x1], $0x80, v4, vm0, $0xb8;
	[tilespmem:$0x10100] =	vst v63  }
0x80: {  	_ = 	snop  }
0x81: {  	[hbm4b:s6+s2] =	stream.indirect_vreg.scatter [tilespmem:s21], [sflag:$0x1], $0x80, v4, vm0, $0xb8;
	[tilespmem:$0x10100] =	vst v63  }
0x82: {  	_ = 	snop  }
0x83: {  	[hbm4b:s3+s2] =	stream.indirect_vreg.scatter [tilespmem:s22], [sflag:$0x1], $0x80, v3, vm0, $0xb8;
	[tilespmem:$0x10100] =	vst v63  }
0x84: {  	_ = 	snop  }
0x85: {  	[hbm4b:s4+s2] =	stream.indirect_vreg.scatter [tilespmem:s23], [sflag:$0x1], $0x80, v3, vm0, $0xb8;
	[tilespmem:$0x10100] =	vst v63  }
0x86: {  	_ = 	snop  }
0x87: {  	[hbm4b:s5+s2] =	stream.indirect_vreg.scatter [tilespmem:s24], [sflag:$0x1], $0x80, v3, vm0, $0xb8;
	[tilespmem:$0x10100] =	vst v63  }
0x88: {  	_ = 	snop  }
0x89: {  	[hbm4b:s6+s2] =	stream.indirect_vreg.scatter [tilespmem:s25], [sflag:$0x1], $0x80, v3, vm0, $0xb8;
	[tilespmem:$0x10100] =	vst v63  }
0x8a: {  	v3 =	vld [tilespmem:$0x90];
	_ =	sdelay $0x4  }
0x8b: {  	v61 =	vshll.u32 v3, $0x3  }
0x8c: {  	v3 =	vand.u32 $0x7, v3;
	v4 =	vand.u32 $0xFFFFFFC0, v61  }
0x8d: {  	v3 =	vor.u32 v3, v4  }
0x8e: {  	v4 =	vperm.xlane v3, v0;
	_ =	sdelay $0x1  }
0x8f: {  	v4 =	vadd.s32 v1, v4;
	_ =	sdelay $0x4  }
0x90: {  	[hbm4b:s3+s2] =	stream.indirect_vreg.scatter [tilespmem:s26], [sflag:$0x1], $0x80, v4, vm0, $0xb8;
	[tilespmem:$0x10100] =	vst v63  }
0x91: {  	v3 =	vperm.xlane v3, v2  }
0x92: {  	[hbm4b:s4+s2] =	stream.indirect_vreg.scatter [tilespmem:s28], [sflag:$0x1], $0x80, v4, vm0, $0xb8;
	[tilespmem:$0x10100] =	vst v63  }
0x93: {  	v3 =	vadd.s32 v1, v3  }
0x94: {  	[hbm4b:s5+s2] =	stream.indirect_vreg.scatter [tilespmem:s29], [sflag:$0x1], $0x80, v4, vm0, $0xb8;
	[tilespmem:$0x10100] =	vst v63  }
0x95: {  	_ = 	snop  }
0x96: {  	[hbm4b:s6+s2] =	stream.indirect_vreg.scatter [tilespmem:s30], [sflag:$0x1], $0x80, v4, vm0, $0xb8;
	[tilespmem:$0x10100] =	vst v63  }
0x97: {  	_ = 	snop  }
0x98: {  	[hbm4b:s3+s2] =	stream.indirect_vreg.scatter [tilespmem:s31], [sflag:$0x1], $0x80, v3, vm0, $0xb8;
	[tilespmem:$0x10100] =	vst v63  }
0x99: {  	s20 =	simm.s32 $0x6900  }
0x9a: {  	[hbm4b:s4+s2] =	stream.indirect_vreg.scatter [tilespmem:s20], [sflag:$0x1], $0x80, v3, vm0, $0xb8;
	[tilespmem:$0x10100] =	vst v63  }
0x9b: {  	_ = 	snop  }
0x9c: {  	[hbm4b:s5+s2] =	stream.indirect_vreg.scatter [tilespmem:s1], [sflag:$0x1], $0x80, v3, vm0, $0xb8;
	[tilespmem:$0x10100] =	vst v63  }
0x9d: {  	_ = 	snop  }
0x9e: {  	[hbm4b:s6+s2] =	stream.indirect_vreg.scatter [tilespmem:s10], [sflag:$0x1], $0x80, v3, vm0, $0xb8;
	[tilespmem:$0x10100] =	vst v63  }
0x9f: {  	v3 =	vld [tilespmem:$0xA0];
	_ =	sdelay $0x4  }
0xa0: {  	v62 =	vshll.u32 v3, $0x3  }
0xa1: {  	v3 =	vand.u32 $0x7, v3;
	v4 =	vand.u32 $0xFFFFFFC0, v62  }
0xa2: {  	v3 =	vor.u32 v3, v4  }
0xa3: {  	v4 =	vperm.xlane v3, v0;
	_ =	sdelay $0x1  }
0xa4: {  	v4 =	vadd.s32 v1, v4;
	_ =	sdelay $0x4  }
0xa5: {  	[hbm4b:s3+s2] =	stream.indirect_vreg.scatter [tilespmem:s11], [sflag:$0x1], $0x80, v4, vm0, $0xb8;
	[tilespmem:$0x10100] =	vst v63  }
0xa6: {  	v3 =	vperm.xlane v3, v2  }
0xa7: {  	[hbm4b:s4+s2] =	stream.indirect_vreg.scatter [tilespmem:s12], [sflag:$0x1], $0x80, v4, vm0, $0xb8;
	[tilespmem:$0x10100] =	vst v63  }
0xa8: {  	v3 =	vadd.s32 v1, v3  }
0xa9: {  	[hbm4b:s5+s2] =	stream.indirect_vreg.scatter [tilespmem:s13], [sflag:$0x1], $0x80, v4, vm0, $0xb8;
	[tilespmem:$0x10100] =	vst v63  }
0xaa: {  	_ = 	snop  }
0xab: {  	[hbm4b:s6+s2] =	stream.indirect_vreg.scatter [tilespmem:s14], [sflag:$0x1], $0x80, v4, vm0, $0xb8;
	[tilespmem:$0x10100] =	vst v63  }
0xac: {  	_ = 	snop  }
0xad: {  	[hbm4b:s3+s2] =	stream.indirect_vreg.scatter [tilespmem:s15], [sflag:$0x1], $0x80, v3, vm0, $0xb8;
	[tilespmem:$0x10100] =	vst v63  }
0xae: {  	_ = 	snop  }
0xaf: {  	[hbm4b:s4+s2] =	stream.indirect_vreg.scatter [tilespmem:s16], [sflag:$0x1], $0x80, v3, vm0, $0xb8;
	[tilespmem:$0x10100] =	vst v63  }
0xb0: {  	_ = 	snop  }
0xb1: {  	[hbm4b:s5+s2] =	stream.indirect_vreg.scatter [tilespmem:s17], [sflag:$0x1], $0x80, v3, vm0, $0xb8;
	[tilespmem:$0x10100] =	vst v63  }
0xb2: {  	_ = 	snop  }
0xb3: {  	[hbm4b:s6+s2] =	stream.indirect_vreg.scatter [tilespmem:s8], [sflag:$0x1], $0x80, v3, vm0, $0xb8;
	[tilespmem:$0x10100] =	vst v63  }
0xb4: {  	v3 =	vld [tilespmem:$0xB0];
	_ =	sdelay $0x4  }
0xb5: {  	v63 =	vshll.u32 v3, $0x3  }
0xb6: {  	v3 =	vand.u32 $0x7, v3;
	v4 =	vand.u32 $0xFFFFFFC0, v63  }
0xb7: {  	v3 =	vor.u32 v3, v4  }
0xb8: {  	v4 =	vperm.xlane v3, v0;
	_ =	sdelay $0x1  }
0xb9: {  	v4 =	vadd.s32 v1, v4;
	_ =	sdelay $0x3  }
0xba: {  	s19 =	simm.s32 $0xC100  }
0xbb: {  	[hbm4b:s3+s2] =	stream.indirect_vreg.scatter [tilespmem:s19], [sflag:$0x1], $0x80, v4, vm0, $0xb8;
	[tilespmem:$0x10100] =	vst v63  }
0xbc: {  	s20 =	simm.s32 $0xC900;
	v3 =	vperm.xlane v3, v2  }
0xbd: {  	[hbm4b:s4+s2] =	stream.indirect_vreg.scatter [tilespmem:s20], [sflag:$0x1], $0x80, v4, vm0, $0xb8;
	[tilespmem:$0x10100] =	vst v63  }
0xbe: {  	s18 =	simm.s32 $0xD100;
	v3 =	vadd.s32 v1, v3  }
0xbf: {  	[hbm4b:s5+s2] =	stream.indirect_vreg.scatter [tilespmem:s18], [sflag:$0x1], $0x80, v4, vm0, $0xb8;
	[tilespmem:$0x10100] =	vst v63  }
0xc0: {  	s19 =	simm.s32 $0xD900  }
0xc1: {  	[hbm4b:s6+s2] =	stream.indirect_vreg.scatter [tilespmem:s19], [sflag:$0x1], $0x80, v4, vm0, $0xb8;
	[tilespmem:$0x10100] =	vst v63  }
0xc2: {  	s20 =	simm.s32 $0xE100  }
0xc3: {  	[hbm4b:s3+s2] =	stream.indirect_vreg.scatter [tilespmem:s20], [sflag:$0x1], $0x80, v3, vm0, $0xb8;
	[tilespmem:$0x10100] =	vst v63  }
0xc4: {  	s18 =	simm.s32 $0xE900  }
0xc5: {  	[hbm4b:s4+s2] =	stream.indirect_vreg.scatter [tilespmem:s18], [sflag:$0x1], $0x80, v3, vm0, $0xb8;
	[tilespmem:$0x10100] =	vst v63  }
0xc6: {  	s19 =	simm.s32 $0xF100  }
0xc7: {  	[hbm4b:s5+s2] =	stream.indirect_vreg.scatter [tilespmem:s19], [sflag:$0x1], $0x80, v3, vm0, $0xb8;
	[tilespmem:$0x10100] =	vst v63  }
0xc8: {  	s20 =	simm.s32 $0x1  }
0xc9: {  	[hbm4b:s6+s2] =	stream.indirect_vreg.scatter [tilespmem:s0], [sflag:$0x1], $0x80, v3, vm0, $0xb8;
	[tilespmem:$0x10100] =	vst v63  }
0xca: {  	p0 =	sne.s32 s7, $0x1;
	_ =	swait.ge [sflag:s20], $0x10000  }
.Ltmp0:
0xcb: {  	[sflag:s20] =	ssyncset.done $0x0;
	(pc) =	sbr.rel @p0 .LBB2_1-.Ltmp0, $4  }
0xcc: {  	[sflag:s20] =	ssyncadd.s32 $0xFFFF0000  }
0xcd: {  	_ =	swait.ge [sflag:s20], $0x10000  }
0xce: {  	[sflag:s20] =	ssyncset.done $0x0  }
0xcf: {  	s7 =	sadd.s32 $0xFFFFFFFF, s7;
	[sflag:s20] =	ssyncadd.s32 $0xFFFF0000  }
0xd0: {  	_ =	sfence.sel $0x180000  }
0xd1: {  	[bflag:$0x0] =	sbarrier.arrive $0xFFFF  }
0xd2: {  	_ =	strace $0x90000047  }
0xd3: {  	s0 =	stileid.u32;
	[bflag:$0x2] =	sbarrier.arrive $0xFFFF  }
0xd4: {  	p0 =	sne.s32 s0, $0x0;
	s0 =	rddreg [dreg:$0x2]  }
0xd5: {  	s0 =	sadd.s32 @!p0 $0x100000, s0  }
0xd6: {  	[sflag:s0] =	ssyncadd.tile.s32 @!p0 $0x1;
	_ =	shalt  }
.Lfunc_end2:
_tile_overlayer_lowered:
.L_overlay_start_2:
0xd7: {  	(tag) =	ssettag $0x2  }
0xd8: {  	s0 =	rddreg [dreg:$0x0];
	s2 =	stileid.u32  }
0xd9: {  	s1 =	rddreg [dreg:$0x1];
	p0 =	sne.s32 s2, $0x0  }
0xda: {  	s3 =	rddreg [dreg:$0x2];
	[bflag:$0x3] =	sbarrier.arrive $0xFFFF;
	s2 =	simm.s32 @!p0 $0x1C02  }
0xdb: {  	[timem:s3], [sflag:s2] =	dma.local @!p0 [hbm:s0], s1  }
0xdc: {  	s0 =	simm.s32 @!p0 $0x2  }
0xdd: {  	_ =	swait.ge @!p0 [sflag:s0], s1  }
0xde: {  	s1 =	ssub.s32 @!p0 $0x0, s1;
	[sflag:s0] =	ssyncset.done @!p0 $0x0  }
0xdf: {  	[sflag:s0] =	ssyncadd.s32 @!p0 s1  }
0xe0: {  	[bflag:$0x3] =	sbarrier.arrive $0xFFFF  }
0xe1: {  	_ =	shalt  }

</sc_bundles>
